<compile_context>
chip_gen: v7x
topology: tpu7x:2x2x1
jax: 0.10.2.dev20260603
libtpu: 0.0.44.dev20260713+nightly
codegen_flags: <defaults>
</compile_context>

<pallas_src>
import functools

import jax
import jax.numpy as jnp
from jax import lax
from jax.experimental import pallas as pl
from jax.experimental.pallas import tpu as pltpu
from jax.experimental.pallas import tpu_sc as plsc

B = 16384
E = 32
NC, NS = 2, 16
NW = NC * NS
BPW = B // NW
CH = 128
NCH = BPW // CH
TB = 2048


def _sc_gather2(tables, idx2d):
    out_type = [jax.ShapeDtypeStruct((B, E), jnp.float32) for _ in range(2)]
    scratch = (
        [pltpu.VMEM((NCH, CH), jnp.int32) for _ in range(2)]
        + [pltpu.VMEM((BPW, E), jnp.float32) for _ in range(2)]
        + [pltpu.SemaphoreType.DMA for _ in range(2)]
    )
    mesh = plsc.VectorSubcoreMesh(core_axis_name="c", subcore_axis_name="s")

    @functools.partial(pl.kernel, mesh=mesh, out_type=out_type,
                       scratch_types=scratch,
                       compiler_params=pltpu.CompilerParams(
                           use_tc_tiling_on_sc=False))
    def k(t0, t1, i0, i1, o0, o1, x0, x1, r0, r1, s0, s1):
        tbl = [t0, t1]
        idx = [i0, i1]
        out = [o0, o1]
        ixv = [x0, x1]
        row = [r0, r1]
        sem = [s0, s1]
        wid = lax.axis_index("s") * NC + lax.axis_index("c")
        irow0 = wid * NCH
        base = wid * BPW
        for t in range(2):
            pltpu.sync_copy(idx[t].at[pl.ds(irow0, NCH)], ixv[t])
        copies = []
        for t in range(2):
            for c in range(NCH):
                copies.append(pltpu.async_copy(
                    tbl[t].at[ixv[t].at[c]],
                    row[t].at[pl.ds(c * CH, CH)],
                    sem[t]))
        for t in range(2):
            for c in range(NCH):
                copies[t * NCH + c].wait()
            pltpu.sync_copy(row[t], out[t].at[pl.ds(base, BPW)])

    return k(*tables, *idx2d)


def _dense_body(ez, em, eu, gid, oid, age_r, ts_r, gtab, otab,
                aw1, ab1, aw2, ab2, tw1, tb1, tw2, tb2,
                w0rep, d0b, d1w, d1b, d2w, d2b, ow, ob, out_r, prod):
    f32 = jnp.float32
    gcols = lax.broadcasted_iota(jnp.int32, (1, gtab.shape[0]), 1)
    gone = (gid[...] == gcols).astype(f32)
    eg = jnp.dot(gone, gtab[...], preferred_element_type=f32)
    ocols = lax.broadcasted_iota(jnp.int32, (1, otab.shape[0]), 1)
    oone = (oid[...] == ocols).astype(f32)
    eo = jnp.dot(oone, otab[...], preferred_element_type=f32)
    age_h = jnp.maximum(age_r[...] * aw1[...] + ab1[...], 0.0)
    age_h = jnp.dot(age_h, aw2[...], preferred_element_type=f32) + ab2[...]
    ts_h = jnp.maximum(ts_r[...] * tw1[...] + tb1[...], 0.0)
    ts_h = jnp.dot(ts_h, tw2[...], preferred_element_type=f32) + tb2[...]
    f = [eg, ez[...], eo, em[...], eu[...], age_h, ts_h]
    p = 0
    for i in range(1, 7):
        for j in range(i):
            prod[:, p * E:(p + 1) * E] = f[i] * f[j]
            p += 1
    h = jnp.maximum(
        jnp.dot(prod[...], w0rep[...], preferred_element_type=f32) + d0b[...],
        0.0)
    h = jnp.maximum(jnp.dot(h, d1w[...], preferred_element_type=f32) + d1b[...], 0.0)
    h = jnp.maximum(jnp.dot(h, d2w[...], preferred_element_type=f32) + d2b[...], 0.0)
    out_r[...] = jnp.dot(h, ow[...], preferred_element_type=f32) + ob[...]


def _tc_dense(embs3, gid2d, oid2d, age2d, ts2d, gtab, otab, w):
    batch_spec = lambda cols: pl.BlockSpec((TB, cols), lambda i: (i, 0))
    full = lambda a: pl.BlockSpec(a.shape, lambda i: (0,) * a.ndim)
    in_specs = ([batch_spec(E)] * 3 + [batch_spec(1)] * 4
                + [full(gtab), full(otab)] + [full(a) for a in w])
    return pl.pallas_call(
        _dense_body,
        grid=(B // TB,),
        in_specs=in_specs,
        out_specs=batch_spec(1),
        out_shape=jax.ShapeDtypeStruct((B, 1), jnp.float32),
        scratch_shapes=[pltpu.VMEM((TB, 21 * E), jnp.float32)],
    )(*embs3, gid2d, oid2d, age2d, ts2d, gtab, otab, *w)


def kernel(user_gender, user_zip_code, user_occupation_text, movie_id, user_id,
           raw_user_age, timestamp,
           emb_user_gender, emb_user_zip_code, emb_user_occupation_text,
           emb_movie_id, emb_user_id,
           age_W1, age_b1, age_W2, age_b2, ts_W1, ts_b1, ts_W2, ts_b2,
           d0_W, d0_b, d1_W, d1_b, d2_W, d2_b, out_W, out_b):
    idx2d = [i.reshape(B // CH, CH) for i in (user_zip_code, movie_id)]
    ez, em = _sc_gather2([emb_user_zip_code, emb_movie_id], idx2d)
    eu = jnp.take(emb_user_id, user_id, axis=0)
    weights = [age_W1, age_b1.reshape(1, -1), age_W2, age_b2.reshape(1, -1),
               ts_W1, ts_b1.reshape(1, -1), ts_W2, ts_b2.reshape(1, -1),
               jnp.repeat(d0_W, E, axis=0), d0_b.reshape(1, -1),
               d1_W, d1_b.reshape(1, -1),
               d2_W, d2_b.reshape(1, -1), out_W, out_b.reshape(1, -1)]
    return _tc_dense([ez, em, eu], user_gender.reshape(B, 1),
                     user_occupation_text.reshape(B, 1),
                     raw_user_age.reshape(B, 1), timestamp.reshape(B, 1),
                     emb_user_gender, emb_user_occupation_text, weights)

# --- scband reference (transcript-rebuilt; emitter-appended) ---
"""Pipeline reference for scband-dlrm-38422777430316 (READ-ONLY COPY).

The authoritative reference and input builder live on the scoring server;
editing this copy changes nothing except your own understanding.
"""

import jax, jax.numpy as jnp
import numpy as np

BATCH = 16384
EMB = 32
MLP = 32
VOCABS = {"user_gender": 3, "user_zip_code": 100000, "user_occupation_text": 22, "movie_id": 100000, "user_id": 1000000}


def setup_inputs(seed: int = 0) -> dict:
    key = jax.random.key(seed)
    ks = jax.random.split(key, 40)
    inp = {}
    for i, (name, v) in enumerate(VOCABS.items()):
        inp[name] = jax.random.randint(ks[i], (BATCH,), 0, v, dtype=jnp.int32)
    inp["raw_user_age"] = jax.random.normal(ks[5], (BATCH,), dtype=jnp.float32)
    inp["timestamp"] = jax.random.normal(ks[6], (BATCH,), dtype=jnp.float32)
    # embedding tables (vocab_size + 1 rows, as in keras Embedding built from len(vocab)+1)
    for i, (name, v) in enumerate(VOCABS.items()):
        inp["emb_" + name] = jax.random.normal(ks[7 + i], (v + 1, EMB), dtype=jnp.float32) * 0.01
    # per-continuous-feature MLP: Dense(MLP, relu) -> Dense(MLP)
    inp["age_W1"] = jax.random.normal(ks[12], (1, MLP), dtype=jnp.float32) * 0.1
    inp["age_b1"] = jnp.zeros((MLP,), dtype=jnp.float32)
    inp["age_W2"] = jax.random.normal(ks[13], (MLP, MLP), dtype=jnp.float32) * 0.1
    inp["age_b2"] = jnp.zeros((MLP,), dtype=jnp.float32)
    inp["ts_W1"] = jax.random.normal(ks[14], (1, MLP), dtype=jnp.float32) * 0.1
    inp["ts_b1"] = jnp.zeros((MLP,), dtype=jnp.float32)
    inp["ts_W2"] = jax.random.normal(ks[15], (MLP, MLP), dtype=jnp.float32) * 0.1
    inp["ts_b2"] = jnp.zeros((MLP,), dtype=jnp.float32)
    # top MLP: input = 7 choose 2 = 21 pairwise interactions
    NP_ = 21
    inp["d0_W"] = jax.random.normal(ks[16], (NP_, 192), dtype=jnp.float32) * 0.05
    inp["d0_b"] = jnp.zeros((192,), dtype=jnp.float32)
    inp["d1_W"] = jax.random.normal(ks[17], (192, 192), dtype=jnp.float32) * 0.05
    inp["d1_b"] = jnp.zeros((192,), dtype=jnp.float32)
    inp["d2_W"] = jax.random.normal(ks[18], (192, 192), dtype=jnp.float32) * 0.05
    inp["d2_b"] = jnp.zeros((192,), dtype=jnp.float32)
    inp["out_W"] = jax.random.normal(ks[19], (192, 1), dtype=jnp.float32) * 0.05
    inp["out_b"] = jnp.zeros((1,), dtype=jnp.float32)
    return inp


def reference(user_gender, user_zip_code, user_occupation_text, movie_id, user_id,
              raw_user_age, timestamp,
              emb_user_gender, emb_user_zip_code, emb_user_occupation_text, emb_movie_id, emb_user_id,
              age_W1, age_b1, age_W2, age_b2, ts_W1, ts_b1, ts_W2, ts_b2,
              d0_W, d0_b, d1_W, d1_b, d2_W, d2_b, out_W, out_b):
    embs = [
        jnp.take(emb_user_gender, user_gender, axis=0),
        jnp.take(emb_user_zip_code, user_zip_code, axis=0),
        jnp.take(emb_user_occupation_text, user_occupation_text, axis=0),
        jnp.take(emb_movie_id, movie_id, axis=0),
        jnp.take(emb_user_id, user_id, axis=0),
    ]
    age = raw_user_age.astype(jnp.float32).reshape(-1, 1)
    age_h = jax.nn.relu(age @ age_W1 + age_b1) @ age_W2 + age_b2
    ts = timestamp.astype(jnp.float32).reshape(-1, 1)
    ts_h = jax.nn.relu(ts @ ts_W1 + ts_b1) @ ts_W2 + ts_b2
    feats = jnp.stack(embs + [age_h, ts_h], axis=1)  # [B, 7, EMB]
    xxt = jnp.einsum('bfd,bgd->bfg', feats, feats)   # [B, 7, 7]
    ii, jj = np.tril_indices(7, -1)                  # strictly lower triangle (no self interaction)
    x = xxt[:, ii, jj]                               # [B, 21]
    x = jax.nn.relu(x @ d0_W + d0_b)
    x = jax.nn.relu(x @ d1_W + d1_b)
    x = jax.nn.relu(x @ d2_W + d2_b)
    return x @ out_W + out_b

if __name__ == "__main__":
    import jax
    _d = setup_inputs()
    print(jax.jit(kernel)(*tuple(_d.values())))

</pallas_src>

<mosaic_0001>
#map = affine_map<(d0, d1) -> (0, 0)>
module attributes {stable_mosaic.version = 14 : i64} {
  func.func @k(%arg0: i32, %arg1: i32, %arg2: memref<100001x32xf32, #tpu.memory_space<hbm>>, %arg3: memref<100001x32xf32, #tpu.memory_space<hbm>>, %arg4: memref<128x128xi32, #tpu.memory_space<hbm>>, %arg5: memref<128x128xi32, #tpu.memory_space<hbm>>, %arg6: memref<16384x32xf32, #tpu.memory_space<hbm>>, %arg7: memref<16384x32xf32, #tpu.memory_space<hbm>>, %arg8: memref<4x128xi32, #tpu.memory_space<vmem>>, %arg9: memref<4x128xi32, #tpu.memory_space<vmem>>, %arg10: memref<512x32xf32, #tpu.memory_space<vmem>>, %arg11: memref<512x32xf32, #tpu.memory_space<vmem>>, %arg12: memref<!tpu.dma_semaphore, #tpu.memory_space<semaphore_mem>>, %arg13: memref<!tpu.dma_semaphore, #tpu.memory_space<semaphore_mem>>) attributes {dimension_semantics = [#tpu.dimension_semantics<core_parallel>, #tpu.dimension_semantics<subcore_parallel>], iteration_bounds = array<i64: 2, 16>, scalar_prefetch = 0 : i64, scratch_operands = 6 : i64, tpu.core_type = #tpu.core_type<sc_vector_subcore>, window_params = [{transform_indices = #map}, {transform_indices = #map}, {transform_indices = #map}, {transform_indices = #map}, {transform_indices = #map}, {transform_indices = #map}]} {
    %mul3A = arith.constant 2 : i32
    %mul3A_0 = arith.muli %arg1, %mul3A : i32
    %add3A = arith.addi %mul3A_0, %arg0 : i32
    %mul3A_1 = arith.constant 4 : i32
    %mul3A_2 = arith.muli %add3A, %mul3A_1 : i32
    %mul3A_3 = arith.constant 512 : i32
    %mul3A_4 = arith.muli %add3A, %mul3A_3 : i32
    "tpu.region"() ({
      %run_scoped3A = tpu.sem_alloc : memref<!tpu.dma_semaphore, #tpu.memory_space<semaphore_mem>>
      %dma_start3A_163 = arith.constant 0 : i32
      %dma_start3A_164 = tpu.memref_slice %arg4[%mul3A_2, %dma_start3A_163] : memref<128x128xi32, #tpu.memory_space<hbm>> -> memref<4x128xi32, #tpu.memory_space<hbm>>
      %dma_start3A_165 = arith.constant 0 : i32
      %dma_start3A_166 = tpu.memref_slice %arg4[%mul3A_2, %dma_start3A_165] : memref<128x128xi32, #tpu.memory_space<hbm>> -> memref<4x128xi32, #tpu.memory_space<hbm>>
      tpu.enqueue_dma source(%dma_start3A_166 : memref<4x128xi32, #tpu.memory_space<hbm>>) target(%arg8 : memref<4x128xi32, #tpu.memory_space<vmem>>) target_semaphore(%run_scoped3A : memref<!tpu.dma_semaphore, #tpu.memory_space<semaphore_mem>>)
      %dma_wait3A_167 = arith.constant 0 : i32
      %dma_wait3A_168 = tpu.memref_slice %arg4[%mul3A_2, %dma_wait3A_167] : memref<128x128xi32, #tpu.memory_space<hbm>> -> memref<4x128xi32, #tpu.memory_space<hbm>>
      %dma_wait3A_169 = arith.constant 0 : i32
      %dma_wait3A_170 = tpu.memref_slice %arg4[%mul3A_2, %dma_wait3A_169] : memref<128x128xi32, #tpu.memory_space<hbm>> -> memref<4x128xi32, #tpu.memory_space<hbm>>
      tpu.wait_dma2 semaphore(%run_scoped3A : memref<!tpu.dma_semaphore, #tpu.memory_space<semaphore_mem>>) src(%dma_wait3A_170 : memref<4x128xi32, #tpu.memory_space<hbm>>) dst(%arg8 : memref<4x128xi32, #tpu.memory_space<vmem>>)
      tpu.yield
    }) : () -> ()
    "tpu.region"() ({
      %run_scoped3A = tpu.sem_alloc : memref<!tpu.dma_semaphore, #tpu.memory_space<semaphore_mem>>
      %dma_start3A_163 = arith.constant 0 : i32
      %dma_start3A_164 = tpu.memref_slice %arg5[%mul3A_2, %dma_start3A_163] : memref<128x128xi32, #tpu.memory_space<hbm>> -> memref<4x128xi32, #tpu.memory_space<hbm>>
      %dma_start3A_165 = arith.constant 0 : i32
      %dma_start3A_166 = tpu.memref_slice %arg5[%mul3A_2, %dma_start3A_165] : memref<128x128xi32, #tpu.memory_space<hbm>> -> memref<4x128xi32, #tpu.memory_space<hbm>>
      tpu.enqueue_dma source(%dma_start3A_166 : memref<4x128xi32, #tpu.memory_space<hbm>>) target(%arg9 : memref<4x128xi32, #tpu.memory_space<vmem>>) target_semaphore(%run_scoped3A : memref<!tpu.dma_semaphore, #tpu.memory_space<semaphore_mem>>)
      %dma_wait3A_167 = arith.constant 0 : i32
      %dma_wait3A_168 = tpu.memref_slice %arg5[%mul3A_2, %dma_wait3A_167] : memref<128x128xi32, #tpu.memory_space<hbm>> -> memref<4x128xi32, #tpu.memory_space<hbm>>
      %dma_wait3A_169 = arith.constant 0 : i32
      %dma_wait3A_170 = tpu.memref_slice %arg5[%mul3A_2, %dma_wait3A_169] : memref<128x128xi32, #tpu.memory_space<hbm>> -> memref<4x128xi32, #tpu.memory_space<hbm>>
      tpu.wait_dma2 semaphore(%run_scoped3A : memref<!tpu.dma_semaphore, #tpu.memory_space<semaphore_mem>>) src(%dma_wait3A_170 : memref<4x128xi32, #tpu.memory_space<hbm>>) dst(%arg9 : memref<4x128xi32, #tpu.memory_space<vmem>>)
      tpu.yield
    }) : () -> ()
    %dma_start3A = arith.constant 0 : i32
    %dma_start3A_5 = arith.constant 0 : i32
    %dma_start3A_6 = arith.constant 0 : i32
    %dma_start3A_7 = tpu.memref_slice %arg10[%dma_start3A_5, %dma_start3A_6] : memref<512x32xf32, #tpu.memory_space<vmem>> -> memref<128x32xf32, #tpu.memory_space<vmem>>
    %dma_start3A_8 = arith.constant 0 : i32
    %dma_start3A_9 = tpu.memref_slice %arg8[%dma_start3A, %dma_start3A_8] : memref<4x128xi32, #tpu.memory_space<vmem>> -> memref<1x128xi32, #tpu.memory_space<vmem>>
    %dma_start3A_10 = tpu.memref_squeeze %dma_start3A_9 : memref<1x128xi32, #tpu.memory_space<vmem>> -> memref<128xi32, #tpu.memory_space<vmem>>
    %dma_start3A_11 = arith.constant 0 : i32
    %dma_start3A_12 = arith.constant 0 : i32
    %dma_start3A_13 = tpu.memref_slice %arg2[%dma_start3A_11, %dma_start3A_12] : memref<100001x32xf32, #tpu.memory_space<hbm>> -> memref<100001x32xf32, #tpu.memory_space<hbm>>
    tpu.enqueue_indirect_dma source(%dma_start3A_13 : memref<100001x32xf32, #tpu.memory_space<hbm>>) target(%dma_start3A_7 : memref<128x32xf32, #tpu.memory_space<vmem>>) offsets(%dma_start3A_10 : memref<128xi32, #tpu.memory_space<vmem>>) semaphore(%arg12 : memref<!tpu.dma_semaphore, #tpu.memory_space<semaphore_mem>>)
    %dma_start3A_14 = arith.constant 1 : i32
    %dma_start3A_15 = arith.constant 128 : i32
    %dma_start3A_16 = arith.constant 0 : i32
    %dma_start3A_17 = tpu.memref_slice %arg10[%dma_start3A_15, %dma_start3A_16] : memref<512x32xf32, #tpu.memory_space<vmem>> -> memref<128x32xf32, #tpu.memory_space<vmem>>
    %dma_start3A_18 = arith.constant 0 : i32
    %dma_start3A_19 = tpu.memref_slice %arg8[%dma_start3A_14, %dma_start3A_18] : memref<4x128xi32, #tpu.memory_space<vmem>> -> memref<1x128xi32, #tpu.memory_space<vmem>>
    %dma_start3A_20 = tpu.memref_squeeze %dma_start3A_19 : memref<1x128xi32, #tpu.memory_space<vmem>> -> memref<128xi32, #tpu.memory_space<vmem>>
    %dma_start3A_21 = arith.constant 0 : i32
    %dma_start3A_22 = arith.constant 0 : i32
    %dma_start3A_23 = tpu.memref_slice %arg2[%dma_start3A_21, %dma_start3A_22] : memref<100001x32xf32, #tpu.memory_space<hbm>> -> memref<100001x32xf32, #tpu.memory_space<hbm>>
    tpu.enqueue_indirect_dma source(%dma_start3A_23 : memref<100001x32xf32, #tpu.memory_space<hbm>>) target(%dma_start3A_17 : memref<128x32xf32, #tpu.memory_space<vmem>>) offsets(%dma_start3A_20 : memref<128xi32, #tpu.memory_space<vmem>>) semaphore(%arg12 : memref<!tpu.dma_semaphore, #tpu.memory_space<semaphore_mem>>)
    %dma_start3A_24 = arith.constant 2 : i32
    %dma_start3A_25 = arith.constant 256 : i32
    %dma_start3A_26 = arith.constant 0 : i32
    %dma_start3A_27 = tpu.memref_slice %arg10[%dma_start3A_25, %dma_start3A_26] : memref<512x32xf32, #tpu.memory_space<vmem>> -> memref<128x32xf32, #tpu.memory_space<vmem>>
    %dma_start3A_28 = arith.constant 0 : i32
    %dma_start3A_29 = tpu.memref_slice %arg8[%dma_start3A_24, %dma_start3A_28] : memref<4x128xi32, #tpu.memory_space<vmem>> -> memref<1x128xi32, #tpu.memory_space<vmem>>
    %dma_start3A_30 = tpu.memref_squeeze %dma_start3A_29 : memref<1x128xi32, #tpu.memory_space<vmem>> -> memref<128xi32, #tpu.memory_space<vmem>>
    %dma_start3A_31 = arith.constant 0 : i32
    %dma_start3A_32 = arith.constant 0 : i32
    %dma_start3A_33 = tpu.memref_slice %arg2[%dma_start3A_31, %dma_start3A_32] : memref<100001x32xf32, #tpu.memory_space<hbm>> -> memref<100001x32xf32, #tpu.memory_space<hbm>>
    tpu.enqueue_indirect_dma source(%dma_start3A_33 : memref<100001x32xf32, #tpu.memory_space<hbm>>) target(%dma_start3A_27 : memref<128x32xf32, #tpu.memory_space<vmem>>) offsets(%dma_start3A_30 : memref<128xi32, #tpu.memory_space<vmem>>) semaphore(%arg12 : memref<!tpu.dma_semaphore, #tpu.memory_space<semaphore_mem>>)
    %dma_start3A_34 = arith.constant 3 : i32
    %dma_start3A_35 = arith.constant 384 : i32
    %dma_start3A_36 = arith.constant 0 : i32
    %dma_start3A_37 = tpu.memref_slice %arg10[%dma_start3A_35, %dma_start3A_36] : memref<512x32xf32, #tpu.memory_space<vmem>> -> memref<128x32xf32, #tpu.memory_space<vmem>>
    %dma_start3A_38 = arith.constant 0 : i32
    %dma_start3A_39 = tpu.memref_slice %arg8[%dma_start3A_34, %dma_start3A_38] : memref<4x128xi32, #tpu.memory_space<vmem>> -> memref<1x128xi32, #tpu.memory_space<vmem>>
    %dma_start3A_40 = tpu.memref_squeeze %dma_start3A_39 : memref<1x128xi32, #tpu.memory_space<vmem>> -> memref<128xi32, #tpu.memory_space<vmem>>
    %dma_start3A_41 = arith.constant 0 : i32
    %dma_start3A_42 = arith.constant 0 : i32
    %dma_start3A_43 = tpu.memref_slice %arg2[%dma_start3A_41, %dma_start3A_42] : memref<100001x32xf32, #tpu.memory_space<hbm>> -> memref<100001x32xf32, #tpu.memory_space<hbm>>
    tpu.enqueue_indirect_dma source(%dma_start3A_43 : memref<100001x32xf32, #tpu.memory_space<hbm>>) target(%dma_start3A_37 : memref<128x32xf32, #tpu.memory_space<vmem>>) offsets(%dma_start3A_40 : memref<128xi32, #tpu.memory_space<vmem>>) semaphore(%arg12 : memref<!tpu.dma_semaphore, #tpu.memory_space<semaphore_mem>>)
    %dma_start3A_44 = arith.constant 0 : i32
    %dma_start3A_45 = arith.constant 0 : i32
    %dma_start3A_46 = arith.constant 0 : i32
    %dma_start3A_47 = tpu.memref_slice %arg11[%dma_start3A_45, %dma_start3A_46] : memref<512x32xf32, #tpu.memory_space<vmem>> -> memref<128x32xf32, #tpu.memory_space<vmem>>
    %dma_start3A_48 = arith.constant 0 : i32
    %dma_start3A_49 = tpu.memref_slice %arg9[%dma_start3A_44, %dma_start3A_48] : memref<4x128xi32, #tpu.memory_space<vmem>> -> memref<1x128xi32, #tpu.memory_space<vmem>>
    %dma_start3A_50 = tpu.memref_squeeze %dma_start3A_49 : memref<1x128xi32, #tpu.memory_space<vmem>> -> memref<128xi32, #tpu.memory_space<vmem>>
    %dma_start3A_51 = arith.constant 0 : i32
    %dma_start3A_52 = arith.constant 0 : i32
    %dma_start3A_53 = tpu.memref_slice %arg3[%dma_start3A_51, %dma_start3A_52] : memref<100001x32xf32, #tpu.memory_space<hbm>> -> memref<100001x32xf32, #tpu.memory_space<hbm>>
    tpu.enqueue_indirect_dma source(%dma_start3A_53 : memref<100001x32xf32, #tpu.memory_space<hbm>>) target(%dma_start3A_47 : memref<128x32xf32, #tpu.memory_space<vmem>>) offsets(%dma_start3A_50 : memref<128xi32, #tpu.memory_space<vmem>>) semaphore(%arg13 : memref<!tpu.dma_semaphore, #tpu.memory_space<semaphore_mem>>)
    %dma_start3A_54 = arith.constant 1 : i32
    %dma_start3A_55 = arith.constant 128 : i32
    %dma_start3A_56 = arith.constant 0 : i32
    %dma_start3A_57 = tpu.memref_slice %arg11[%dma_start3A_55, %dma_start3A_56] : memref<512x32xf32, #tpu.memory_space<vmem>> -> memref<128x32xf32, #tpu.memory_space<vmem>>
    %dma_start3A_58 = arith.constant 0 : i32
    %dma_start3A_59 = tpu.memref_slice %arg9[%dma_start3A_54, %dma_start3A_58] : memref<4x128xi32, #tpu.memory_space<vmem>> -> memref<1x128xi32, #tpu.memory_space<vmem>>
    %dma_start3A_60 = tpu.memref_squeeze %dma_start3A_59 : memref<1x128xi32, #tpu.memory_space<vmem>> -> memref<128xi32, #tpu.memory_space<vmem>>
    %dma_start3A_61 = arith.constant 0 : i32
    %dma_start3A_62 = arith.constant 0 : i32
    %dma_start3A_63 = tpu.memref_slice %arg3[%dma_start3A_61, %dma_start3A_62] : memref<100001x32xf32, #tpu.memory_space<hbm>> -> memref<100001x32xf32, #tpu.memory_space<hbm>>
    tpu.enqueue_indirect_dma source(%dma_start3A_63 : memref<100001x32xf32, #tpu.memory_space<hbm>>) target(%dma_start3A_57 : memref<128x32xf32, #tpu.memory_space<vmem>>) offsets(%dma_start3A_60 : memref<128xi32, #tpu.memory_space<vmem>>) semaphore(%arg13 : memref<!tpu.dma_semaphore, #tpu.memory_space<semaphore_mem>>)
    %dma_start3A_64 = arith.constant 2 : i32
    %dma_start3A_65 = arith.constant 256 : i32
    %dma_start3A_66 = arith.constant 0 : i32
    %dma_start3A_67 = tpu.memref_slice %arg11[%dma_start3A_65, %dma_start3A_66] : memref<512x32xf32, #tpu.memory_space<vmem>> -> memref<128x32xf32, #tpu.memory_space<vmem>>
    %dma_start3A_68 = arith.constant 0 : i32
    %dma_start3A_69 = tpu.memref_slice %arg9[%dma_start3A_64, %dma_start3A_68] : memref<4x128xi32, #tpu.memory_space<vmem>> -> memref<1x128xi32, #tpu.memory_space<vmem>>
    %dma_start3A_70 = tpu.memref_squeeze %dma_start3A_69 : memref<1x128xi32, #tpu.memory_space<vmem>> -> memref<128xi32, #tpu.memory_space<vmem>>
    %dma_start3A_71 = arith.constant 0 : i32
    %dma_start3A_72 = arith.constant 0 : i32
    %dma_start3A_73 = tpu.memref_slice %arg3[%dma_start3A_71, %dma_start3A_72] : memref<100001x32xf32, #tpu.memory_space<hbm>> -> memref<100001x32xf32, #tpu.memory_space<hbm>>
    tpu.enqueue_indirect_dma source(%dma_start3A_73 : memref<100001x32xf32, #tpu.memory_space<hbm>>) target(%dma_start3A_67 : memref<128x32xf32, #tpu.memory_space<vmem>>) offsets(%dma_start3A_70 : memref<128xi32, #tpu.memory_space<vmem>>) semaphore(%arg13 : memref<!tpu.dma_semaphore, #tpu.memory_space<semaphore_mem>>)
    %dma_start3A_74 = arith.constant 3 : i32
    %dma_start3A_75 = arith.constant 384 : i32
    %dma_start3A_76 = arith.constant 0 : i32
    %dma_start3A_77 = tpu.memref_slice %arg11[%dma_start3A_75, %dma_start3A_76] : memref<512x32xf32, #tpu.memory_space<vmem>> -> memref<128x32xf32, #tpu.memory_space<vmem>>
    %dma_start3A_78 = arith.constant 0 : i32
    %dma_start3A_79 = tpu.memref_slice %arg9[%dma_start3A_74, %dma_start3A_78] : memref<4x128xi32, #tpu.memory_space<vmem>> -> memref<1x128xi32, #tpu.memory_space<vmem>>
    %dma_start3A_80 = tpu.memref_squeeze %dma_start3A_79 : memref<1x128xi32, #tpu.memory_space<vmem>> -> memref<128xi32, #tpu.memory_space<vmem>>
    %dma_start3A_81 = arith.constant 0 : i32
    %dma_start3A_82 = arith.constant 0 : i32
    %dma_start3A_83 = tpu.memref_slice %arg3[%dma_start3A_81, %dma_start3A_82] : memref<100001x32xf32, #tpu.memory_space<hbm>> -> memref<100001x32xf32, #tpu.memory_space<hbm>>
    tpu.enqueue_indirect_dma source(%dma_start3A_83 : memref<100001x32xf32, #tpu.memory_space<hbm>>) target(%dma_start3A_77 : memref<128x32xf32, #tpu.memory_space<vmem>>) offsets(%dma_start3A_80 : memref<128xi32, #tpu.memory_space<vmem>>) semaphore(%arg13 : memref<!tpu.dma_semaphore, #tpu.memory_space<semaphore_mem>>)
    %dma_wait3A = arith.constant 0 : i32
    %dma_wait3A_84 = arith.constant 0 : i32
    %dma_wait3A_85 = arith.constant 0 : i32
    %dma_wait3A_86 = tpu.memref_slice %arg10[%dma_wait3A_84, %dma_wait3A_85] : memref<512x32xf32, #tpu.memory_space<vmem>> -> memref<128x32xf32, #tpu.memory_space<vmem>>
    %dma_wait3A_87 = arith.constant 0 : i32
    %dma_wait3A_88 = tpu.memref_slice %arg8[%dma_wait3A, %dma_wait3A_87] : memref<4x128xi32, #tpu.memory_space<vmem>> -> memref<1x128xi32, #tpu.memory_space<vmem>>
    %dma_wait3A_89 = tpu.memref_squeeze %dma_wait3A_88 : memref<1x128xi32, #tpu.memory_space<vmem>> -> memref<128xi32, #tpu.memory_space<vmem>>
    %dma_wait3A_90 = arith.constant 0 : i32
    %dma_wait3A_91 = arith.constant 0 : i32
    %dma_wait3A_92 = tpu.memref_slice %arg2[%dma_wait3A_90, %dma_wait3A_91] : memref<100001x32xf32, #tpu.memory_space<hbm>> -> memref<100001x32xf32, #tpu.memory_space<hbm>>
    tpu.wait_indirect_dma semaphore(%arg12 : memref<!tpu.dma_semaphore, #tpu.memory_space<semaphore_mem>>) src(%dma_wait3A_92 : memref<100001x32xf32, #tpu.memory_space<hbm>>) dst(%dma_wait3A_86 : memref<128x32xf32, #tpu.memory_space<vmem>>)
    %dma_wait3A_93 = arith.constant 1 : i32
    %dma_wait3A_94 = arith.constant 128 : i32
    %dma_wait3A_95 = arith.constant 0 : i32
    %dma_wait3A_96 = tpu.memref_slice %arg10[%dma_wait3A_94, %dma_wait3A_95] : memref<512x32xf32, #tpu.memory_space<vmem>> -> memref<128x32xf32, #tpu.memory_space<vmem>>
    %dma_wait3A_97 = arith.constant 0 : i32
    %dma_wait3A_98 = tpu.memref_slice %arg8[%dma_wait3A_93, %dma_wait3A_97] : memref<4x128xi32, #tpu.memory_space<vmem>> -> memref<1x128xi32, #tpu.memory_space<vmem>>
    %dma_wait3A_99 = tpu.memref_squeeze %dma_wait3A_98 : memref<1x128xi32, #tpu.memory_space<vmem>> -> memref<128xi32, #tpu.memory_space<vmem>>
    %dma_wait3A_100 = arith.constant 0 : i32
    %dma_wait3A_101 = arith.constant 0 : i32
    %dma_wait3A_102 = tpu.memref_slice %arg2[%dma_wait3A_100, %dma_wait3A_101] : memref<100001x32xf32, #tpu.memory_space<hbm>> -> memref<100001x32xf32, #tpu.memory_space<hbm>>
    tpu.wait_indirect_dma semaphore(%arg12 : memref<!tpu.dma_semaphore, #tpu.memory_space<semaphore_mem>>) src(%dma_wait3A_102 : memref<100001x32xf32, #tpu.memory_space<hbm>>) dst(%dma_wait3A_96 : memref<128x32xf32, #tpu.memory_space<vmem>>)
    %dma_wait3A_103 = arith.constant 2 : i32
    %dma_wait3A_104 = arith.constant 256 : i32
    %dma_wait3A_105 = arith.constant 0 : i32
    %dma_wait3A_106 = tpu.memref_slice %arg10[%dma_wait3A_104, %dma_wait3A_105] : memref<512x32xf32, #tpu.memory_space<vmem>> -> memref<128x32xf32, #tpu.memory_space<vmem>>
    %dma_wait3A_107 = arith.constant 0 : i32
    %dma_wait3A_108 = tpu.memref_slice %arg8[%dma_wait3A_103, %dma_wait3A_107] : memref<4x128xi32, #tpu.memory_space<vmem>> -> memref<1x128xi32, #tpu.memory_space<vmem>>
    %dma_wait3A_109 = tpu.memref_squeeze %dma_wait3A_108 : memref<1x128xi32, #tpu.memory_space<vmem>> -> memref<128xi32, #tpu.memory_space<vmem>>
    %dma_wait3A_110 = arith.constant 0 : i32
    %dma_wait3A_111 = arith.constant 0 : i32
    %dma_wait3A_112 = tpu.memref_slice %arg2[%dma_wait3A_110, %dma_wait3A_111] : memref<100001x32xf32, #tpu.memory_space<hbm>> -> memref<100001x32xf32, #tpu.memory_space<hbm>>
    tpu.wait_indirect_dma semaphore(%arg12 : memref<!tpu.dma_semaphore, #tpu.memory_space<semaphore_mem>>) src(%dma_wait3A_112 : memref<100001x32xf32, #tpu.memory_space<hbm>>) dst(%dma_wait3A_106 : memref<128x32xf32, #tpu.memory_space<vmem>>)
    %dma_wait3A_113 = arith.constant 3 : i32
    %dma_wait3A_114 = arith.constant 384 : i32
    %dma_wait3A_115 = arith.constant 0 : i32
    %dma_wait3A_116 = tpu.memref_slice %arg10[%dma_wait3A_114, %dma_wait3A_115] : memref<512x32xf32, #tpu.memory_space<vmem>> -> memref<128x32xf32, #tpu.memory_space<vmem>>
    %dma_wait3A_117 = arith.constant 0 : i32
    %dma_wait3A_118 = tpu.memref_slice %arg8[%dma_wait3A_113, %dma_wait3A_117] : memref<4x128xi32, #tpu.memory_space<vmem>> -> memref<1x128xi32, #tpu.memory_space<vmem>>
    %dma_wait3A_119 = tpu.memref_squeeze %dma_wait3A_118 : memref<1x128xi32, #tpu.memory_space<vmem>> -> memref<128xi32, #tpu.memory_space<vmem>>
    %dma_wait3A_120 = arith.constant 0 : i32
    %dma_wait3A_121 = arith.constant 0 : i32
    %dma_wait3A_122 = tpu.memref_slice %arg2[%dma_wait3A_120, %dma_wait3A_121] : memref<100001x32xf32, #tpu.memory_space<hbm>> -> memref<100001x32xf32, #tpu.memory_space<hbm>>
    tpu.wait_indirect_dma semaphore(%arg12 : memref<!tpu.dma_semaphore, #tpu.memory_space<semaphore_mem>>) src(%dma_wait3A_122 : memref<100001x32xf32, #tpu.memory_space<hbm>>) dst(%dma_wait3A_116 : memref<128x32xf32, #tpu.memory_space<vmem>>)
    "tpu.region"() ({
      %run_scoped3A = tpu.sem_alloc : memref<!tpu.dma_semaphore, #tpu.memory_space<semaphore_mem>>
      %dma_start3A_163 = arith.constant 0 : i32
      %dma_start3A_164 = tpu.memref_slice %arg6[%mul3A_4, %dma_start3A_163] : memref<16384x32xf32, #tpu.memory_space<hbm>> -> memref<512x32xf32, #tpu.memory_space<hbm>>
      %dma_start3A_165 = arith.constant 0 : i32
      %dma_start3A_166 = tpu.memref_slice %arg6[%mul3A_4, %dma_start3A_165] : memref<16384x32xf32, #tpu.memory_space<hbm>> -> memref<512x32xf32, #tpu.memory_space<hbm>>
      tpu.enqueue_dma source(%arg10 : memref<512x32xf32, #tpu.memory_space<vmem>>) target(%dma_start3A_166 : memref<512x32xf32, #tpu.memory_space<hbm>>) target_semaphore(%run_scoped3A : memref<!tpu.dma_semaphore, #tpu.memory_space<semaphore_mem>>)
      %dma_wait3A_167 = arith.constant 0 : i32
      %dma_wait3A_168 = tpu.memref_slice %arg6[%mul3A_4, %dma_wait3A_167] : memref<16384x32xf32, #tpu.memory_space<hbm>> -> memref<512x32xf32, #tpu.memory_space<hbm>>
      %dma_wait3A_169 = arith.constant 0 : i32
      %dma_wait3A_170 = tpu.memref_slice %arg6[%mul3A_4, %dma_wait3A_169] : memref<16384x32xf32, #tpu.memory_space<hbm>> -> memref<512x32xf32, #tpu.memory_space<hbm>>
      tpu.wait_dma2 semaphore(%run_scoped3A : memref<!tpu.dma_semaphore, #tpu.memory_space<semaphore_mem>>) src(%arg10 : memref<512x32xf32, #tpu.memory_space<vmem>>) dst(%dma_wait3A_170 : memref<512x32xf32, #tpu.memory_space<hbm>>)
      tpu.yield
    }) : () -> ()
    %dma_wait3A_123 = arith.constant 0 : i32
    %dma_wait3A_124 = arith.constant 0 : i32
    %dma_wait3A_125 = arith.constant 0 : i32
    %dma_wait3A_126 = tpu.memref_slice %arg11[%dma_wait3A_124, %dma_wait3A_125] : memref<512x32xf32, #tpu.memory_space<vmem>> -> memref<128x32xf32, #tpu.memory_space<vmem>>
    %dma_wait3A_127 = arith.constant 0 : i32
    %dma_wait3A_128 = tpu.memref_slice %arg9[%dma_wait3A_123, %dma_wait3A_127] : memref<4x128xi32, #tpu.memory_space<vmem>> -> memref<1x128xi32, #tpu.memory_space<vmem>>
    %dma_wait3A_129 = tpu.memref_squeeze %dma_wait3A_128 : memref<1x128xi32, #tpu.memory_space<vmem>> -> memref<128xi32, #tpu.memory_space<vmem>>
    %dma_wait3A_130 = arith.constant 0 : i32
    %dma_wait3A_131 = arith.constant 0 : i32
    %dma_wait3A_132 = tpu.memref_slice %arg3[%dma_wait3A_130, %dma_wait3A_131] : memref<100001x32xf32, #tpu.memory_space<hbm>> -> memref<100001x32xf32, #tpu.memory_space<hbm>>
    tpu.wait_indirect_dma semaphore(%arg13 : memref<!tpu.dma_semaphore, #tpu.memory_space<semaphore_mem>>) src(%dma_wait3A_132 : memref<100001x32xf32, #tpu.memory_space<hbm>>) dst(%dma_wait3A_126 : memref<128x32xf32, #tpu.memory_space<vmem>>)
    %dma_wait3A_133 = arith.constant 1 : i32
    %dma_wait3A_134 = arith.constant 128 : i32
    %dma_wait3A_135 = arith.constant 0 : i32
    %dma_wait3A_136 = tpu.memref_slice %arg11[%dma_wait3A_134, %dma_wait3A_135] : memref<512x32xf32, #tpu.memory_space<vmem>> -> memref<128x32xf32, #tpu.memory_space<vmem>>
    %dma_wait3A_137 = arith.constant 0 : i32
    %dma_wait3A_138 = tpu.memref_slice %arg9[%dma_wait3A_133, %dma_wait3A_137] : memref<4x128xi32, #tpu.memory_space<vmem>> -> memref<1x128xi32, #tpu.memory_space<vmem>>
    %dma_wait3A_139 = tpu.memref_squeeze %dma_wait3A_138 : memref<1x128xi32, #tpu.memory_space<vmem>> -> memref<128xi32, #tpu.memory_space<vmem>>
    %dma_wait3A_140 = arith.constant 0 : i32
    %dma_wait3A_141 = arith.constant 0 : i32
    %dma_wait3A_142 = tpu.memref_slice %arg3[%dma_wait3A_140, %dma_wait3A_141] : memref<100001x32xf32, #tpu.memory_space<hbm>> -> memref<100001x32xf32, #tpu.memory_space<hbm>>
    tpu.wait_indirect_dma semaphore(%arg13 : memref<!tpu.dma_semaphore, #tpu.memory_space<semaphore_mem>>) src(%dma_wait3A_142 : memref<100001x32xf32, #tpu.memory_space<hbm>>) dst(%dma_wait3A_136 : memref<128x32xf32, #tpu.memory_space<vmem>>)
    %dma_wait3A_143 = arith.constant 2 : i32
    %dma_wait3A_144 = arith.constant 256 : i32
    %dma_wait3A_145 = arith.constant 0 : i32
    %dma_wait3A_146 = tpu.memref_slice %arg11[%dma_wait3A_144, %dma_wait3A_145] : memref<512x32xf32, #tpu.memory_space<vmem>> -> memref<128x32xf32, #tpu.memory_space<vmem>>
    %dma_wait3A_147 = arith.constant 0 : i32
    %dma_wait3A_148 = tpu.memref_slice %arg9[%dma_wait3A_143, %dma_wait3A_147] : memref<4x128xi32, #tpu.memory_space<vmem>> -> memref<1x128xi32, #tpu.memory_space<vmem>>
    %dma_wait3A_149 = tpu.memref_squeeze %dma_wait3A_148 : memref<1x128xi32, #tpu.memory_space<vmem>> -> memref<128xi32, #tpu.memory_space<vmem>>
    %dma_wait3A_150 = arith.constant 0 : i32
    %dma_wait3A_151 = arith.constant 0 : i32
    %dma_wait3A_152 = tpu.memref_slice %arg3[%dma_wait3A_150, %dma_wait3A_151] : memref<100001x32xf32, #tpu.memory_space<hbm>> -> memref<100001x32xf32, #tpu.memory_space<hbm>>
    tpu.wait_indirect_dma semaphore(%arg13 : memref<!tpu.dma_semaphore, #tpu.memory_space<semaphore_mem>>) src(%dma_wait3A_152 : memref<100001x32xf32, #tpu.memory_space<hbm>>) dst(%dma_wait3A_146 : memref<128x32xf32, #tpu.memory_space<vmem>>)
    %dma_wait3A_153 = arith.constant 3 : i32
    %dma_wait3A_154 = arith.constant 384 : i32
    %dma_wait3A_155 = arith.constant 0 : i32
    %dma_wait3A_156 = tpu.memref_slice %arg11[%dma_wait3A_154, %dma_wait3A_155] : memref<512x32xf32, #tpu.memory_space<vmem>> -> memref<128x32xf32, #tpu.memory_space<vmem>>
    %dma_wait3A_157 = arith.constant 0 : i32
    %dma_wait3A_158 = tpu.memref_slice %arg9[%dma_wait3A_153, %dma_wait3A_157] : memref<4x128xi32, #tpu.memory_space<vmem>> -> memref<1x128xi32, #tpu.memory_space<vmem>>
    %dma_wait3A_159 = tpu.memref_squeeze %dma_wait3A_158 : memref<1x128xi32, #tpu.memory_space<vmem>> -> memref<128xi32, #tpu.memory_space<vmem>>
    %dma_wait3A_160 = arith.constant 0 : i32
    %dma_wait3A_161 = arith.constant 0 : i32
    %dma_wait3A_162 = tpu.memref_slice %arg3[%dma_wait3A_160, %dma_wait3A_161] : memref<100001x32xf32, #tpu.memory_space<hbm>> -> memref<100001x32xf32, #tpu.memory_space<hbm>>
    tpu.wait_indirect_dma semaphore(%arg13 : memref<!tpu.dma_semaphore, #tpu.memory_space<semaphore_mem>>) src(%dma_wait3A_162 : memref<100001x32xf32, #tpu.memory_space<hbm>>) dst(%dma_wait3A_156 : memref<128x32xf32, #tpu.memory_space<vmem>>)
    "tpu.region"() ({
      %run_scoped3A = tpu.sem_alloc : memref<!tpu.dma_semaphore, #tpu.memory_space<semaphore_mem>>
      %dma_start3A_163 = arith.constant 0 : i32
      %dma_start3A_164 = tpu.memref_slice %arg7[%mul3A_4, %dma_start3A_163] : memref<16384x32xf32, #tpu.memory_space<hbm>> -> memref<512x32xf32, #tpu.memory_space<hbm>>
      %dma_start3A_165 = arith.constant 0 : i32
      %dma_start3A_166 = tpu.memref_slice %arg7[%mul3A_4, %dma_start3A_165] : memref<16384x32xf32, #tpu.memory_space<hbm>> -> memref<512x32xf32, #tpu.memory_space<hbm>>
      tpu.enqueue_dma source(%arg11 : memref<512x32xf32, #tpu.memory_space<vmem>>) target(%dma_start3A_166 : memref<512x32xf32, #tpu.memory_space<hbm>>) target_semaphore(%run_scoped3A : memref<!tpu.dma_semaphore, #tpu.memory_space<semaphore_mem>>)
      %dma_wait3A_167 = arith.constant 0 : i32
      %dma_wait3A_168 = tpu.memref_slice %arg7[%mul3A_4, %dma_wait3A_167] : memref<16384x32xf32, #tpu.memory_space<hbm>> -> memref<512x32xf32, #tpu.memory_space<hbm>>
      %dma_wait3A_169 = arith.constant 0 : i32
      %dma_wait3A_170 = tpu.memref_slice %arg7[%mul3A_4, %dma_wait3A_169] : memref<16384x32xf32, #tpu.memory_space<hbm>> -> memref<512x32xf32, #tpu.memory_space<hbm>>
      tpu.wait_dma2 semaphore(%run_scoped3A : memref<!tpu.dma_semaphore, #tpu.memory_space<semaphore_mem>>) src(%arg11 : memref<512x32xf32, #tpu.memory_space<vmem>>) dst(%dma_wait3A_170 : memref<512x32xf32, #tpu.memory_space<hbm>>)
      tpu.yield
    }) : () -> ()
    return
  }
}

module attributes {stable_mosaic.version = 14 : i64} {
  func.func @_dense_body(%arg0: i32, %arg1: memref<2048x32xf32, #tpu.memory_space<vmem>>, %arg2: memref<2048x32xf32, #tpu.memory_space<vmem>>, %arg3: memref<2048x32xf32, #tpu.memory_space<vmem>>, %arg4: memref<2048x1xi32, #tpu.memory_space<vmem>>, %arg5: memref<2048x1xi32, #tpu.memory_space<vmem>>, %arg6: memref<2048x1xf32, #tpu.memory_space<vmem>>, %arg7: memref<2048x1xf32, #tpu.memory_space<vmem>>, %arg8: memref<4x32xf32, #tpu.memory_space<vmem>>, %arg9: memref<23x32xf32, #tpu.memory_space<vmem>>, %arg10: memref<1x32xf32, #tpu.memory_space<vmem>>, %arg11: memref<1x32xf32, #tpu.memory_space<vmem>>, %arg12: memref<32x32xf32, #tpu.memory_space<vmem>>, %arg13: memref<1x32xf32, #tpu.memory_space<vmem>>, %arg14: memref<1x32xf32, #tpu.memory_space<vmem>>, %arg15: memref<1x32xf32, #tpu.memory_space<vmem>>, %arg16: memref<32x32xf32, #tpu.memory_space<vmem>>, %arg17: memref<1x32xf32, #tpu.memory_space<vmem>>, %arg18: memref<672x192xf32, #tpu.memory_space<vmem>>, %arg19: memref<1x192xf32, #tpu.memory_space<vmem>>, %arg20: memref<192x192xf32, #tpu.memory_space<vmem>>, %arg21: memref<1x192xf32, #tpu.memory_space<vmem>>, %arg22: memref<192x192xf32, #tpu.memory_space<vmem>>, %arg23: memref<1x192xf32, #tpu.memory_space<vmem>>, %arg24: memref<192x1xf32, #tpu.memory_space<vmem>>, %arg25: memref<1x1xf32, #tpu.memory_space<vmem>>, %arg26: memref<2048x1xf32, #tpu.memory_space<vmem>>, %arg27: memref<2048x672xf32, #tpu.memory_space<vmem>>) attributes {dimension_semantics = [#tpu.dimension_semantics<arbitrary>], iteration_bounds = array<i64: 8>, scalar_prefetch = 0 : i64, scratch_operands = 1 : i64, tpu.core_type = #tpu.core_type<tc>, window_params = [{transform_indices = @transform_0, window_bounds = array<i64: 2048, 32>}, {transform_indices = @transform_1, window_bounds = array<i64: 2048, 32>}, {transform_indices = @transform_2, window_bounds = array<i64: 2048, 32>}, {transform_indices = @transform_3, window_bounds = array<i64: 2048, 1>}, {transform_indices = @transform_4, window_bounds = array<i64: 2048, 1>}, {transform_indices = @transform_5, window_bounds = array<i64: 2048, 1>}, {transform_indices = @transform_6, window_bounds = array<i64: 2048, 1>}, {pipeline_mode = #tpu.pipeline_mode<synchronous>, transform_indices = @transform_7, window_bounds = array<i64: 4, 32>}, {pipeline_mode = #tpu.pipeline_mode<synchronous>, transform_indices = @transform_8, window_bounds = array<i64: 23, 32>}, {pipeline_mode = #tpu.pipeline_mode<synchronous>, transform_indices = @transform_9, window_bounds = array<i64: 1, 32>}, {pipeline_mode = #tpu.pipeline_mode<synchronous>, transform_indices = @transform_10, window_bounds = array<i64: 1, 32>}, {pipeline_mode = #tpu.pipeline_mode<synchronous>, transform_indices = @transform_11, window_bounds = array<i64: 32, 32>}, {pipeline_mode = #tpu.pipeline_mode<synchronous>, transform_indices = @transform_12, window_bounds = array<i64: 1, 32>}, {pipeline_mode = #tpu.pipeline_mode<synchronous>, transform_indices = @transform_13, window_bounds = array<i64: 1, 32>}, {pipeline_mode = #tpu.pipeline_mode<synchronous>, transform_indices = @transform_14, window_bounds = array<i64: 1, 32>}, {pipeline_mode = #tpu.pipeline_mode<synchronous>, transform_indices = @transform_15, window_bounds = array<i64: 32, 32>}, {pipeline_mode = #tpu.pipeline_mode<synchronous>, transform_indices = @transform_16, window_bounds = array<i64: 1, 32>}, {pipeline_mode = #tpu.pipeline_mode<synchronous>, transform_indices = @transform_17, window_bounds = array<i64: 672, 192>}, {pipeline_mode = #tpu.pipeline_mode<synchronous>, transform_indices = @transform_18, window_bounds = array<i64: 1, 192>}, {pipeline_mode = #tpu.pipeline_mode<synchronous>, transform_indices = @transform_19, window_bounds = array<i64: 192, 192>}, {pipeline_mode = #tpu.pipeline_mode<synchronous>, transform_indices = @transform_20, window_bounds = array<i64: 1, 192>}, {pipeline_mode = #tpu.pipeline_mode<synchronous>, transform_indices = @transform_21, window_bounds = array<i64: 192, 192>}, {pipeline_mode = #tpu.pipeline_mode<synchronous>, transform_indices = @transform_22, window_bounds = array<i64: 1, 192>}, {pipeline_mode = #tpu.pipeline_mode<synchronous>, transform_indices = @transform_23, window_bounds = array<i64: 192, 1>}, {pipeline_mode = #tpu.pipeline_mode<synchronous>, transform_indices = @transform_24, window_bounds = array<i64: 1, 1>}, {transform_indices = @transform_25, window_bounds = array<i64: 2048, 1>}]} {
    %iota3A = tpu.iota {dimensions = array<i32: 1>} : vector<1x4xi32>
    %get3A = arith.constant 0 : index
    %get3A_0 = arith.constant 0 : index
    %get3A_1 = vector.load %arg4[%get3A, %get3A_0] : memref<2048x1xi32, #tpu.memory_space<vmem>>, vector<2048x1xi32>
    %eq3A = vector.broadcast %get3A_1 : vector<2048x1xi32> to vector<2048x4xi32>
    %eq3A_2 = vector.broadcast %iota3A : vector<1x4xi32> to vector<2048x4xi32>
    %eq3A_3 = arith.cmpi eq, %eq3A, %eq3A_2 : vector<2048x4xi32>
    %convert_element_type3A = arith.extui %eq3A_3 : vector<2048x4xi1> to vector<2048x4xi32>
    %convert_element_type3A_4 = arith.sitofp %convert_element_type3A : vector<2048x4xi32> to vector<2048x4xf32>
    %get3A_5 = arith.constant 0 : index
    %get3A_6 = arith.constant 0 : index
    %get3A_7 = vector.load %arg8[%get3A_5, %get3A_6] : memref<4x32xf32, #tpu.memory_space<vmem>>, vector<4x32xf32>
    %dot_general3A = arith.constant dense<0.000000e+00> : vector<2048x32xf32>
    %dot_general3A_8 = tpu.matmul %convert_element_type3A_4, %get3A_7, %dot_general3A {dimension_numbers = #tpu.dot_dimension_numbers<[1], [0], [0], [1], [0, 0, 1, 1], [], []>, transpose_lhs_hint = false} : vector<2048x4xf32>, vector<4x32xf32>, vector<2048x32xf32> -> vector<2048x32xf32>
    %iota3A_9 = tpu.iota {dimensions = array<i32: 1>} : vector<1x23xi32>
    %get3A_10 = arith.constant 0 : index
    %get3A_11 = arith.constant 0 : index
    %get3A_12 = vector.load %arg5[%get3A_10, %get3A_11] : memref<2048x1xi32, #tpu.memory_space<vmem>>, vector<2048x1xi32>
    %eq3A_13 = vector.broadcast %get3A_12 : vector<2048x1xi32> to vector<2048x23xi32>
    %eq3A_14 = vector.broadcast %iota3A_9 : vector<1x23xi32> to vector<2048x23xi32>
    %eq3A_15 = arith.cmpi eq, %eq3A_13, %eq3A_14 : vector<2048x23xi32>
    %convert_element_type3A_16 = arith.extui %eq3A_15 : vector<2048x23xi1> to vector<2048x23xi32>
    %convert_element_type3A_17 = arith.sitofp %convert_element_type3A_16 : vector<2048x23xi32> to vector<2048x23xf32>
    %get3A_18 = arith.constant 0 : index
    %get3A_19 = arith.constant 0 : index
    %get3A_20 = vector.load %arg9[%get3A_18, %get3A_19] : memref<23x32xf32, #tpu.memory_space<vmem>>, vector<23x32xf32>
    %dot_general3A_21 = arith.constant dense<0.000000e+00> : vector<2048x32xf32>
    %dot_general3A_22 = tpu.matmul %convert_element_type3A_17, %get3A_20, %dot_general3A_21 {dimension_numbers = #tpu.dot_dimension_numbers<[1], [0], [0], [1], [0, 0, 1, 1], [], []>, transpose_lhs_hint = false} : vector<2048x23xf32>, vector<23x32xf32>, vector<2048x32xf32> -> vector<2048x32xf32>
    %get3A_23 = arith.constant 0 : index
    %get3A_24 = arith.constant 0 : index
    %get3A_25 = vector.load %arg6[%get3A_23, %get3A_24] : memref<2048x1xf32, #tpu.memory_space<vmem>>, vector<2048x1xf32>
    %get3A_26 = arith.constant 0 : index
    %get3A_27 = arith.constant 0 : index
    %get3A_28 = vector.load %arg10[%get3A_26, %get3A_27] : memref<1x32xf32, #tpu.memory_space<vmem>>, vector<1x32xf32>
    %mul3A = vector.broadcast %get3A_25 : vector<2048x1xf32> to vector<2048x32xf32>
    %mul3A_29 = vector.broadcast %get3A_28 : vector<1x32xf32> to vector<2048x32xf32>
    %mul3A_30 = arith.mulf %mul3A, %mul3A_29 : vector<2048x32xf32>
    %get3A_31 = arith.constant 0 : index
    %get3A_32 = arith.constant 0 : index
    %get3A_33 = vector.load %arg11[%get3A_31, %get3A_32] : memref<1x32xf32, #tpu.memory_space<vmem>>, vector<1x32xf32>
    %add3A = vector.broadcast %get3A_33 : vector<1x32xf32> to vector<2048x32xf32>
    %add3A_34 = arith.addf %mul3A_30, %add3A : vector<2048x32xf32>
    %max3A = arith.constant 0.000000e+00 : f32
    %max3A_35 = vector.broadcast %max3A : f32 to vector<2048x32xf32>
    %max3A_36 = arith.maximumf %add3A_34, %max3A_35 : vector<2048x32xf32>
    %get3A_37 = arith.constant 0 : index
    %get3A_38 = arith.constant 0 : index
    %get3A_39 = vector.load %arg12[%get3A_37, %get3A_38] : memref<32x32xf32, #tpu.memory_space<vmem>>, vector<32x32xf32>
    %dot_general3A_40 = arith.constant dense<0.000000e+00> : vector<2048x32xf32>
    %dot_general3A_41 = tpu.matmul %max3A_36, %get3A_39, %dot_general3A_40 {dimension_numbers = #tpu.dot_dimension_numbers<[1], [0], [0], [1], [0, 0, 1, 1], [], []>, transpose_lhs_hint = false} : vector<2048x32xf32>, vector<32x32xf32>, vector<2048x32xf32> -> vector<2048x32xf32>
    %get3A_42 = arith.constant 0 : index
    %get3A_43 = arith.constant 0 : index
    %get3A_44 = vector.load %arg13[%get3A_42, %get3A_43] : memref<1x32xf32, #tpu.memory_space<vmem>>, vector<1x32xf32>
    %add3A_45 = vector.broadcast %get3A_44 : vector<1x32xf32> to vector<2048x32xf32>
    %add3A_46 = arith.addf %dot_general3A_41, %add3A_45 : vector<2048x32xf32>
    %get3A_47 = arith.constant 0 : index
    %get3A_48 = arith.constant 0 : index
    %get3A_49 = vector.load %arg7[%get3A_47, %get3A_48] : memref<2048x1xf32, #tpu.memory_space<vmem>>, vector<2048x1xf32>
    %get3A_50 = arith.constant 0 : index
    %get3A_51 = arith.constant 0 : index
    %get3A_52 = vector.load %arg14[%get3A_50, %get3A_51] : memref<1x32xf32, #tpu.memory_space<vmem>>, vector<1x32xf32>
    %mul3A_53 = vector.broadcast %get3A_49 : vector<2048x1xf32> to vector<2048x32xf32>
    %mul3A_54 = vector.broadcast %get3A_52 : vector<1x32xf32> to vector<2048x32xf32>
    %mul3A_55 = arith.mulf %mul3A_53, %mul3A_54 : vector<2048x32xf32>
    %get3A_56 = arith.constant 0 : index
    %get3A_57 = arith.constant 0 : index
    %get3A_58 = vector.load %arg15[%get3A_56, %get3A_57] : memref<1x32xf32, #tpu.memory_space<vmem>>, vector<1x32xf32>
    %add3A_59 = vector.broadcast %get3A_58 : vector<1x32xf32> to vector<2048x32xf32>
    %add3A_60 = arith.addf %mul3A_55, %add3A_59 : vector<2048x32xf32>
    %max3A_61 = arith.constant 0.000000e+00 : f32
    %max3A_62 = vector.broadcast %max3A_61 : f32 to vector<2048x32xf32>
    %max3A_63 = arith.maximumf %add3A_60, %max3A_62 : vector<2048x32xf32>
    %get3A_64 = arith.constant 0 : index
    %get3A_65 = arith.constant 0 : index
    %get3A_66 = vector.load %arg16[%get3A_64, %get3A_65] : memref<32x32xf32, #tpu.memory_space<vmem>>, vector<32x32xf32>
    %dot_general3A_67 = arith.constant dense<0.000000e+00> : vector<2048x32xf32>
    %dot_general3A_68 = tpu.matmul %max3A_63, %get3A_66, %dot_general3A_67 {dimension_numbers = #tpu.dot_dimension_numbers<[1], [0], [0], [1], [0, 0, 1, 1], [], []>, transpose_lhs_hint = false} : vector<2048x32xf32>, vector<32x32xf32>, vector<2048x32xf32> -> vector<2048x32xf32>
    %get3A_69 = arith.constant 0 : index
    %get3A_70 = arith.constant 0 : index
    %get3A_71 = vector.load %arg17[%get3A_69, %get3A_70] : memref<1x32xf32, #tpu.memory_space<vmem>>, vector<1x32xf32>
    %add3A_72 = vector.broadcast %get3A_71 : vector<1x32xf32> to vector<2048x32xf32>
    %add3A_73 = arith.addf %dot_general3A_68, %add3A_72 : vector<2048x32xf32>
    %get3A_74 = arith.constant 0 : index
    %get3A_75 = arith.constant 0 : index
    %get3A_76 = vector.load %arg1[%get3A_74, %get3A_75] : memref<2048x32xf32, #tpu.memory_space<vmem>>, vector<2048x32xf32>
    %get3A_77 = arith.constant 0 : index
    %get3A_78 = arith.constant 0 : index
    %get3A_79 = vector.load %arg2[%get3A_77, %get3A_78] : memref<2048x32xf32, #tpu.memory_space<vmem>>, vector<2048x32xf32>
    %get3A_80 = arith.constant 0 : index
    %get3A_81 = arith.constant 0 : index
    %get3A_82 = vector.load %arg3[%get3A_80, %get3A_81] : memref<2048x32xf32, #tpu.memory_space<vmem>>, vector<2048x32xf32>
    %mul3A_83 = arith.mulf %get3A_76, %dot_general3A_8 : vector<2048x32xf32>
    %swap3A = arith.constant 0 : index
    %swap3A_84 = arith.constant 0 : index
    %swap3A_85 = vector.load %arg27[%swap3A, %swap3A_84] : memref<2048x672xf32, #tpu.memory_space<vmem>>, vector<2048x32xf32>
    tpu.vector_store %arg27[%swap3A, %swap3A_84], %mul3A_83 {strides = array<i32>} : memref<2048x672xf32, #tpu.memory_space<vmem>>, vector<2048x32xf32>,
    %mul3A_86 = arith.mulf %dot_general3A_22, %dot_general3A_8 : vector<2048x32xf32>
    %swap3A_87 = arith.constant 0 : index
    %swap3A_88 = arith.constant 32 : index
    %swap3A_89 = vector.load %arg27[%swap3A_87, %swap3A_88] : memref<2048x672xf32, #tpu.memory_space<vmem>>, vector<2048x32xf32>
    tpu.vector_store %arg27[%swap3A_87, %swap3A_88], %mul3A_86 {strides = array<i32>} : memref<2048x672xf32, #tpu.memory_space<vmem>>, vector<2048x32xf32>,
    %mul3A_90 = arith.mulf %dot_general3A_22, %get3A_76 : vector<2048x32xf32>
    %swap3A_91 = arith.constant 0 : index
    %swap3A_92 = arith.constant 64 : index
    %swap3A_93 = vector.load %arg27[%swap3A_91, %swap3A_92] : memref<2048x672xf32, #tpu.memory_space<vmem>>, vector<2048x32xf32>
    tpu.vector_store %arg27[%swap3A_91, %swap3A_92], %mul3A_90 {strides = array<i32>} : memref<2048x672xf32, #tpu.memory_space<vmem>>, vector<2048x32xf32>,
    %mul3A_94 = arith.mulf %get3A_79, %dot_general3A_8 : vector<2048x32xf32>
    %swap3A_95 = arith.constant 0 : index
    %swap3A_96 = arith.constant 96 : index
    %swap3A_97 = vector.load %arg27[%swap3A_95, %swap3A_96] : memref<2048x672xf32, #tpu.memory_space<vmem>>, vector<2048x32xf32>
    tpu.vector_store %arg27[%swap3A_95, %swap3A_96], %mul3A_94 {strides = array<i32>} : memref<2048x672xf32, #tpu.memory_space<vmem>>, vector<2048x32xf32>,
    %mul3A_98 = arith.mulf %get3A_79, %get3A_76 : vector<2048x32xf32>
    %swap3A_99 = arith.constant 0 : index
    %swap3A_100 = arith.constant 128 : index
    %swap3A_101 = vector.load %arg27[%swap3A_99, %swap3A_100] : memref<2048x672xf32, #tpu.memory_space<vmem>>, vector<2048x32xf32>
    tpu.vector_store %arg27[%swap3A_99, %swap3A_100], %mul3A_98 {strides = array<i32>} : memref<2048x672xf32, #tpu.memory_space<vmem>>, vector<2048x32xf32>,
    %mul3A_102 = arith.mulf %get3A_79, %dot_general3A_22 : vector<2048x32xf32>
    %swap3A_103 = arith.constant 0 : index
    %swap3A_104 = arith.constant 160 : index
    %swap3A_105 = vector.load %arg27[%swap3A_103, %swap3A_104] : memref<2048x672xf32, #tpu.memory_space<vmem>>, vector<2048x32xf32>
    tpu.vector_store %arg27[%swap3A_103, %swap3A_104], %mul3A_102 {strides = array<i32>} : memref<2048x672xf32, #tpu.memory_space<vmem>>, vector<2048x32xf32>,
    %mul3A_106 = arith.mulf %get3A_82, %dot_general3A_8 : vector<2048x32xf32>
    %swap3A_107 = arith.constant 0 : index
    %swap3A_108 = arith.constant 192 : index
    %swap3A_109 = vector.load %arg27[%swap3A_107, %swap3A_108] : memref<2048x672xf32, #tpu.memory_space<vmem>>, vector<2048x32xf32>
    tpu.vector_store %arg27[%swap3A_107, %swap3A_108], %mul3A_106 {strides = array<i32>} : memref<2048x672xf32, #tpu.memory_space<vmem>>, vector<2048x32xf32>,
    %mul3A_110 = arith.mulf %get3A_82, %get3A_76 : vector<2048x32xf32>
    %swap3A_111 = arith.constant 0 : index
    %swap3A_112 = arith.constant 224 : index
    %swap3A_113 = vector.load %arg27[%swap3A_111, %swap3A_112] : memref<2048x672xf32, #tpu.memory_space<vmem>>, vector<2048x32xf32>
    tpu.vector_store %arg27[%swap3A_111, %swap3A_112], %mul3A_110 {strides = array<i32>} : memref<2048x672xf32, #tpu.memory_space<vmem>>, vector<2048x32xf32>,
    %mul3A_114 = arith.mulf %get3A_82, %dot_general3A_22 : vector<2048x32xf32>
    %swap3A_115 = arith.constant 0 : index
    %swap3A_116 = arith.constant 256 : index
    %swap3A_117 = vector.load %arg27[%swap3A_115, %swap3A_116] : memref<2048x672xf32, #tpu.memory_space<vmem>>, vector<2048x32xf32>
    tpu.vector_store %arg27[%swap3A_115, %swap3A_116], %mul3A_114 {strides = array<i32>} : memref<2048x672xf32, #tpu.memory_space<vmem>>, vector<2048x32xf32>,
    %mul3A_118 = arith.mulf %get3A_82, %get3A_79 : vector<2048x32xf32>
    %swap3A_119 = arith.constant 0 : index
    %swap3A_120 = arith.constant 288 : index
    %swap3A_121 = vector.load %arg27[%swap3A_119, %swap3A_120] : memref<2048x672xf32, #tpu.memory_space<vmem>>, vector<2048x32xf32>
    tpu.vector_store %arg27[%swap3A_119, %swap3A_120], %mul3A_118 {strides = array<i32>} : memref<2048x672xf32, #tpu.memory_space<vmem>>, vector<2048x32xf32>,
    %mul3A_122 = arith.mulf %add3A_46, %dot_general3A_8 : vector<2048x32xf32>
    %swap3A_123 = arith.constant 0 : index
    %swap3A_124 = arith.constant 320 : index
    %swap3A_125 = vector.load %arg27[%swap3A_123, %swap3A_124] : memref<2048x672xf32, #tpu.memory_space<vmem>>, vector<2048x32xf32>
    tpu.vector_store %arg27[%swap3A_123, %swap3A_124], %mul3A_122 {strides = array<i32>} : memref<2048x672xf32, #tpu.memory_space<vmem>>, vector<2048x32xf32>,
    %mul3A_126 = arith.mulf %add3A_46, %get3A_76 : vector<2048x32xf32>
    %swap3A_127 = arith.constant 0 : index
    %swap3A_128 = arith.constant 352 : index
    %swap3A_129 = vector.load %arg27[%swap3A_127, %swap3A_128] : memref<2048x672xf32, #tpu.memory_space<vmem>>, vector<2048x32xf32>
    tpu.vector_store %arg27[%swap3A_127, %swap3A_128], %mul3A_126 {strides = array<i32>} : memref<2048x672xf32, #tpu.memory_space<vmem>>, vector<2048x32xf32>,
    %mul3A_130 = arith.mulf %add3A_46, %dot_general3A_22 : vector<2048x32xf32>
    %swap3A_131 = arith.constant 0 : index
    %swap3A_132 = arith.constant 384 : index
    %swap3A_133 = vector.load %arg27[%swap3A_131, %swap3A_132] : memref<2048x672xf32, #tpu.memory_space<vmem>>, vector<2048x32xf32>
    tpu.vector_store %arg27[%swap3A_131, %swap3A_132], %mul3A_130 {strides = array<i32>} : memref<2048x672xf32, #tpu.memory_space<vmem>>, vector<2048x32xf32>,
    %mul3A_134 = arith.mulf %add3A_46, %get3A_79 : vector<2048x32xf32>
    %swap3A_135 = arith.constant 0 : index
    %swap3A_136 = arith.constant 416 : index
    %swap3A_137 = vector.load %arg27[%swap3A_135, %swap3A_136] : memref<2048x672xf32, #tpu.memory_space<vmem>>, vector<2048x32xf32>
    tpu.vector_store %arg27[%swap3A_135, %swap3A_136], %mul3A_134 {strides = array<i32>} : memref<2048x672xf32, #tpu.memory_space<vmem>>, vector<2048x32xf32>,
    %mul3A_138 = arith.mulf %add3A_46, %get3A_82 : vector<2048x32xf32>
    %swap3A_139 = arith.constant 0 : index
    %swap3A_140 = arith.constant 448 : index
    %swap3A_141 = vector.load %arg27[%swap3A_139, %swap3A_140] : memref<2048x672xf32, #tpu.memory_space<vmem>>, vector<2048x32xf32>
    tpu.vector_store %arg27[%swap3A_139, %swap3A_140], %mul3A_138 {strides = array<i32>} : memref<2048x672xf32, #tpu.memory_space<vmem>>, vector<2048x32xf32>,
    %mul3A_142 = arith.mulf %add3A_73, %dot_general3A_8 : vector<2048x32xf32>
    %swap3A_143 = arith.constant 0 : index
    %swap3A_144 = arith.constant 480 : index
    %swap3A_145 = vector.load %arg27[%swap3A_143, %swap3A_144] : memref<2048x672xf32, #tpu.memory_space<vmem>>, vector<2048x32xf32>
    tpu.vector_store %arg27[%swap3A_143, %swap3A_144], %mul3A_142 {strides = array<i32>} : memref<2048x672xf32, #tpu.memory_space<vmem>>, vector<2048x32xf32>,
    %mul3A_146 = arith.mulf %add3A_73, %get3A_76 : vector<2048x32xf32>
    %swap3A_147 = arith.constant 0 : index
    %swap3A_148 = arith.constant 512 : index
    %swap3A_149 = vector.load %arg27[%swap3A_147, %swap3A_148] : memref<2048x672xf32, #tpu.memory_space<vmem>>, vector<2048x32xf32>
    tpu.vector_store %arg27[%swap3A_147, %swap3A_148], %mul3A_146 {strides = array<i32>} : memref<2048x672xf32, #tpu.memory_space<vmem>>, vector<2048x32xf32>,
    %mul3A_150 = arith.mulf %add3A_73, %dot_general3A_22 : vector<2048x32xf32>
    %swap3A_151 = arith.constant 0 : index
    %swap3A_152 = arith.constant 544 : index
    %swap3A_153 = vector.load %arg27[%swap3A_151, %swap3A_152] : memref<2048x672xf32, #tpu.memory_space<vmem>>, vector<2048x32xf32>
    tpu.vector_store %arg27[%swap3A_151, %swap3A_152], %mul3A_150 {strides = array<i32>} : memref<2048x672xf32, #tpu.memory_space<vmem>>, vector<2048x32xf32>,
    %mul3A_154 = arith.mulf %add3A_73, %get3A_79 : vector<2048x32xf32>
    %swap3A_155 = arith.constant 0 : index
    %swap3A_156 = arith.constant 576 : index
    %swap3A_157 = vector.load %arg27[%swap3A_155, %swap3A_156] : memref<2048x672xf32, #tpu.memory_space<vmem>>, vector<2048x32xf32>
    tpu.vector_store %arg27[%swap3A_155, %swap3A_156], %mul3A_154 {strides = array<i32>} : memref<2048x672xf32, #tpu.memory_space<vmem>>, vector<2048x32xf32>,
    %mul3A_158 = arith.mulf %add3A_73, %get3A_82 : vector<2048x32xf32>
    %swap3A_159 = arith.constant 0 : index
    %swap3A_160 = arith.constant 608 : index
    %swap3A_161 = vector.load %arg27[%swap3A_159, %swap3A_160] : memref<2048x672xf32, #tpu.memory_space<vmem>>, vector<2048x32xf32>
    tpu.vector_store %arg27[%swap3A_159, %swap3A_160], %mul3A_158 {strides = array<i32>} : memref<2048x672xf32, #tpu.memory_space<vmem>>, vector<2048x32xf32>,
    %mul3A_162 = arith.mulf %add3A_73, %add3A_46 : vector<2048x32xf32>
    %swap3A_163 = arith.constant 0 : index
    %swap3A_164 = arith.constant 640 : index
    %swap3A_165 = vector.load %arg27[%swap3A_163, %swap3A_164] : memref<2048x672xf32, #tpu.memory_space<vmem>>, vector<2048x32xf32>
    tpu.vector_store %arg27[%swap3A_163, %swap3A_164], %mul3A_162 {strides = array<i32>} : memref<2048x672xf32, #tpu.memory_space<vmem>>, vector<2048x32xf32>,
    %get3A_166 = arith.constant 0 : index
    %get3A_167 = arith.constant 0 : index
    %get3A_168 = vector.load %arg27[%get3A_166, %get3A_167] : memref<2048x672xf32, #tpu.memory_space<vmem>>, vector<2048x672xf32>
    %get3A_169 = arith.constant 0 : index
    %get3A_170 = arith.constant 0 : index
    %get3A_171 = vector.load %arg18[%get3A_169, %get3A_170] : memref<672x192xf32, #tpu.memory_space<vmem>>, vector<672x192xf32>
    %dot_general3A_172 = arith.constant dense<0.000000e+00> : vector<2048x192xf32>
    %dot_general3A_173 = tpu.matmul %get3A_168, %get3A_171, %dot_general3A_172 {dimension_numbers = #tpu.dot_dimension_numbers<[1], [0], [0], [1], [0, 0, 1, 1], [], []>, transpose_lhs_hint = false} : vector<2048x672xf32>, vector<672x192xf32>, vector<2048x192xf32> -> vector<2048x192xf32>
    %get3A_174 = arith.constant 0 : index
    %get3A_175 = arith.constant 0 : index
    %get3A_176 = vector.load %arg19[%get3A_174, %get3A_175] : memref<1x192xf32, #tpu.memory_space<vmem>>, vector<1x192xf32>
    %add3A_177 = vector.broadcast %get3A_176 : vector<1x192xf32> to vector<2048x192xf32>
    %add3A_178 = arith.addf %dot_general3A_173, %add3A_177 : vector<2048x192xf32>
    %max3A_179 = arith.constant 0.000000e+00 : f32
    %max3A_180 = vector.broadcast %max3A_179 : f32 to vector<2048x192xf32>
    %max3A_181 = arith.maximumf %add3A_178, %max3A_180 : vector<2048x192xf32>
    %get3A_182 = arith.constant 0 : index
    %get3A_183 = arith.constant 0 : index
    %get3A_184 = vector.load %arg20[%get3A_182, %get3A_183] : memref<192x192xf32, #tpu.memory_space<vmem>>, vector<192x192xf32>
    %dot_general3A_185 = arith.constant dense<0.000000e+00> : vector<2048x192xf32>
    %dot_general3A_186 = tpu.matmul %max3A_181, %get3A_184, %dot_general3A_185 {dimension_numbers = #tpu.dot_dimension_numbers<[1], [0], [0], [1], [0, 0, 1, 1], [], []>, transpose_lhs_hint = false} : vector<2048x192xf32>, vector<192x192xf32>, vector<2048x192xf32> -> vector<2048x192xf32>
    %get3A_187 = arith.constant 0 : index
    %get3A_188 = arith.constant 0 : index
    %get3A_189 = vector.load %arg21[%get3A_187, %get3A_188] : memref<1x192xf32, #tpu.memory_space<vmem>>, vector<1x192xf32>
    %add3A_190 = vector.broadcast %get3A_189 : vector<1x192xf32> to vector<2048x192xf32>
    %add3A_191 = arith.addf %dot_general3A_186, %add3A_190 : vector<2048x192xf32>
    %max3A_192 = arith.constant 0.000000e+00 : f32
    %max3A_193 = vector.broadcast %max3A_192 : f32 to vector<2048x192xf32>
    %max3A_194 = arith.maximumf %add3A_191, %max3A_193 : vector<2048x192xf32>
    %get3A_195 = arith.constant 0 : index
    %get3A_196 = arith.constant 0 : index
    %get3A_197 = vector.load %arg22[%get3A_195, %get3A_196] : memref<192x192xf32, #tpu.memory_space<vmem>>, vector<192x192xf32>
    %dot_general3A_198 = arith.constant dense<0.000000e+00> : vector<2048x192xf32>
    %dot_general3A_199 = tpu.matmul %max3A_194, %get3A_197, %dot_general3A_198 {dimension_numbers = #tpu.dot_dimension_numbers<[1], [0], [0], [1], [0, 0, 1, 1], [], []>, transpose_lhs_hint = false} : vector<2048x192xf32>, vector<192x192xf32>, vector<2048x192xf32> -> vector<2048x192xf32>
    %get3A_200 = arith.constant 0 : index
    %get3A_201 = arith.constant 0 : index
    %get3A_202 = vector.load %arg23[%get3A_200, %get3A_201] : memref<1x192xf32, #tpu.memory_space<vmem>>, vector<1x192xf32>
    %add3A_203 = vector.broadcast %get3A_202 : vector<1x192xf32> to vector<2048x192xf32>
    %add3A_204 = arith.addf %dot_general3A_199, %add3A_203 : vector<2048x192xf32>
    %max3A_205 = arith.constant 0.000000e+00 : f32
    %max3A_206 = vector.broadcast %max3A_205 : f32 to vector<2048x192xf32>
    %max3A_207 = arith.maximumf %add3A_204, %max3A_206 : vector<2048x192xf32>
    %get3A_208 = arith.constant 0 : index
    %get3A_209 = arith.constant 0 : index
    %get3A_210 = vector.load %arg24[%get3A_208, %get3A_209] : memref<192x1xf32, #tpu.memory_space<vmem>>, vector<192x1xf32>
    %dot_general3A_211 = arith.constant dense<0.000000e+00> : vector<2048x1xf32>
    %dot_general3A_212 = tpu.matmul %max3A_207, %get3A_210, %dot_general3A_211 {dimension_numbers = #tpu.dot_dimension_numbers<[1], [0], [0], [1], [0, 0, 1, 1], [], []>, transpose_lhs_hint = false} : vector<2048x192xf32>, vector<192x1xf32>, vector<2048x1xf32> -> vector<2048x1xf32>
    %get3A_213 = arith.constant 0 : index
    %get3A_214 = arith.constant 0 : index
    %get3A_215 = vector.load %arg25[%get3A_213, %get3A_214] : memref<1x1xf32, #tpu.memory_space<vmem>>, vector<1x1xf32>
    %add3A_216 = vector.broadcast %get3A_215 : vector<1x1xf32> to vector<2048x1xf32>
    %add3A_217 = arith.addf %dot_general3A_212, %add3A_216 : vector<2048x1xf32>
    %swap3A_218 = arith.constant 0 : index
    %swap3A_219 = arith.constant 0 : index
    %swap3A_220 = vector.load %arg26[%swap3A_218, %swap3A_219] : memref<2048x1xf32, #tpu.memory_space<vmem>>, vector<2048x1xf32>
    tpu.vector_store %arg26[%swap3A_218, %swap3A_219], %add3A_217 {strides = array<i32>} : memref<2048x1xf32, #tpu.memory_space<vmem>>, vector<2048x1xf32>,
    return
  }
  func.func @transform_0(%arg0: i32) -> (i32, i32) {
    %c0_i32 = arith.constant 0 : i32
    %c0_i32_0 = arith.constant 0 : i32
    return %arg0, %c0_i32 : i32, i32
  }
  func.func @transform_1(%arg0: i32) -> (i32, i32) {
    %c0_i32 = arith.constant 0 : i32
    %c0_i32_0 = arith.constant 0 : i32
    return %arg0, %c0_i32 : i32, i32
  }
  func.func @transform_2(%arg0: i32) -> (i32, i32) {
    %c0_i32 = arith.constant 0 : i32
    %c0_i32_0 = arith.constant 0 : i32
    return %arg0, %c0_i32 : i32, i32
  }
  func.func @transform_3(%arg0: i32) -> (i32, i32) {
    %c0_i32 = arith.constant 0 : i32
    %c0_i32_0 = arith.constant 0 : i32
    return %arg0, %c0_i32 : i32, i32
  }
  func.func @transform_4(%arg0: i32) -> (i32, i32) {
    %c0_i32 = arith.constant 0 : i32
    %c0_i32_0 = arith.constant 0 : i32
    return %arg0, %c0_i32 : i32, i32
  }
  func.func @transform_5(%arg0: i32) -> (i32, i32) {
    %c0_i32 = arith.constant 0 : i32
    %c0_i32_0 = arith.constant 0 : i32
    return %arg0, %c0_i32 : i32, i32
  }
  func.func @transform_6(%arg0: i32) -> (i32, i32) {
    %c0_i32 = arith.constant 0 : i32
    %c0_i32_0 = arith.constant 0 : i32
    return %arg0, %c0_i32 : i32, i32
  }
  func.func @transform_7(%arg0: i32) -> (i32, i32) {
    %c0_i32 = arith.constant 0 : i32
    %c0_i32_0 = arith.constant 0 : i32
    %c0_i32_1 = arith.constant 0 : i32
    return %c0_i32, %c0_i32_0 : i32, i32
  }
  func.func @transform_8(%arg0: i32) -> (i32, i32) {
    %c0_i32 = arith.constant 0 : i32
    %c0_i32_0 = arith.constant 0 : i32
    %c0_i32_1 = arith.constant 0 : i32
    return %c0_i32, %c0_i32_0 : i32, i32
  }
  func.func @transform_9(%arg0: i32) -> (i32, i32) {
    %c0_i32 = arith.constant 0 : i32
    %c0_i32_0 = arith.constant 0 : i32
    %c0_i32_1 = arith.constant 0 : i32
    return %c0_i32, %c0_i32_0 : i32, i32
  }
  func.func @transform_10(%arg0: i32) -> (i32, i32) {
    %c0_i32 = arith.constant 0 : i32
    %c0_i32_0 = arith.constant 0 : i32
    %c0_i32_1 = arith.constant 0 : i32
    return %c0_i32, %c0_i32_0 : i32, i32
  }
  func.func @transform_11(%arg0: i32) -> (i32, i32) {
    %c0_i32 = arith.constant 0 : i32
    %c0_i32_0 = arith.constant 0 : i32
    %c0_i32_1 = arith.constant 0 : i32
    return %c0_i32, %c0_i32_0 : i32, i32
  }
  func.func @transform_12(%arg0: i32) -> (i32, i32) {
    %c0_i32 = arith.constant 0 : i32
    %c0_i32_0 = arith.constant 0 : i32
    %c0_i32_1 = arith.constant 0 : i32
    return %c0_i32, %c0_i32_0 : i32, i32
  }
  func.func @transform_13(%arg0: i32) -> (i32, i32) {
    %c0_i32 = arith.constant 0 : i32
    %c0_i32_0 = arith.constant 0 : i32
    %c0_i32_1 = arith.constant 0 : i32
    return %c0_i32, %c0_i32_0 : i32, i32
  }
  func.func @transform_14(%arg0: i32) -> (i32, i32) {
    %c0_i32 = arith.constant 0 : i32
    %c0_i32_0 = arith.constant 0 : i32
    %c0_i32_1 = arith.constant 0 : i32
    return %c0_i32, %c0_i32_0 : i32, i32
  }
  func.func @transform_15(%arg0: i32) -> (i32, i32) {
    %c0_i32 = arith.constant 0 : i32
    %c0_i32_0 = arith.constant 0 : i32
    %c0_i32_1 = arith.constant 0 : i32
    return %c0_i32, %c0_i32_0 : i32, i32
  }
  func.func @transform_16(%arg0: i32) -> (i32, i32) {
    %c0_i32 = arith.constant 0 : i32
    %c0_i32_0 = arith.constant 0 : i32
    %c0_i32_1 = arith.constant 0 : i32
    return %c0_i32, %c0_i32_0 : i32, i32
  }
  func.func @transform_17(%arg0: i32) -> (i32, i32) {
    %c0_i32 = arith.constant 0 : i32
    %c0_i32_0 = arith.constant 0 : i32
    %c0_i32_1 = arith.constant 0 : i32
    return %c0_i32, %c0_i32_0 : i32, i32
  }
  func.func @transform_18(%arg0: i32) -> (i32, i32) {
    %c0_i32 = arith.constant 0 : i32
    %c0_i32_0 = arith.constant 0 : i32
    %c0_i32_1 = arith.constant 0 : i32
    return %c0_i32, %c0_i32_0 : i32, i32
  }
  func.func @transform_19(%arg0: i32) -> (i32, i32) {
    %c0_i32 = arith.constant 0 : i32
    %c0_i32_0 = arith.constant 0 : i32
    %c0_i32_1 = arith.constant 0 : i32
    return %c0_i32, %c0_i32_0 : i32, i32
  }
  func.func @transform_20(%arg0: i32) -> (i32, i32) {
    %c0_i32 = arith.constant 0 : i32
    %c0_i32_0 = arith.constant 0 : i32
    %c0_i32_1 = arith.constant 0 : i32
    return %c0_i32, %c0_i32_0 : i32, i32
  }
  func.func @transform_21(%arg0: i32) -> (i32, i32) {
    %c0_i32 = arith.constant 0 : i32
    %c0_i32_0 = arith.constant 0 : i32
    %c0_i32_1 = arith.constant 0 : i32
    return %c0_i32, %c0_i32_0 : i32, i32
  }
  func.func @transform_22(%arg0: i32) -> (i32, i32) {
    %c0_i32 = arith.constant 0 : i32
    %c0_i32_0 = arith.constant 0 : i32
    %c0_i32_1 = arith.constant 0 : i32
    return %c0_i32, %c0_i32_0 : i32, i32
  }
  func.func @transform_23(%arg0: i32) -> (i32, i32) {
    %c0_i32 = arith.constant 0 : i32
    %c0_i32_0 = arith.constant 0 : i32
    %c0_i32_1 = arith.constant 0 : i32
    return %c0_i32, %c0_i32_0 : i32, i32
  }
  func.func @transform_24(%arg0: i32) -> (i32, i32) {
    %c0_i32 = arith.constant 0 : i32
    %c0_i32_0 = arith.constant 0 : i32
    %c0_i32_1 = arith.constant 0 : i32
    return %c0_i32, %c0_i32_0 : i32, i32
  }
  func.func @transform_25(%arg0: i32) -> (i32, i32) {
    %c0_i32 = arith.constant 0 : i32
    %c0_i32_0 = arith.constant 0 : i32
    return %arg0, %c0_i32 : i32, i32
  }
}

</mosaic_0001>

<sc_bundles>
// kernel: gather_offload_async_start
scs
__scs_entry_jumppad:
0x0: {  	(pc) =	sbr.rel $0x88, $3  }
0x1: {  	(tag) =	ssettag $0x0;
	lr =	simm.s32 $0x1  }
0x2: {  	[smem:$0x3F85] =	sst lr;
	_ =	strace $0xD0000000  }
0x3: {  	_ = 	snop  }
0x4: {  	_ = 	snop  }
0x5: {  	_ = 	snop  }
0x6: {  	_ = 	snop  }
0x7: {  	_ = 	snop  }
__scs_overlays_trampoline_lowered:
0x8: {  	[smem:$0x3F94] =	sst s0  }
0x9: {  	[smem:$0x3F95] =	sst s1  }
0xa: {  	[smem:$0x3F96] =	sst s2  }
0xb: {  	[smem:$0x3F97] =	sst s3  }
0xc: {  	[smem:$0x3F98] =	sst s4  }
0xd: {  	[smem:$0x3F99] =	sst s5  }
0xe: {  	[smem:$0x3F9A] =	sst s6  }
0xf: {  	[smem:$0x3F9B] =	sst s7  }
0x10: {  	[smem:$0x3F9C] =	sst s8  }
0x11: {  	[smem:$0x3F9D] =	sst s9;
	s0 =	simm.s32 @!p0 $0x0  }
0x12: {  	s1 =	sld [smem:$0x3F83];
	s0 =	simm.s32 @p0 $0x1  }
0x13: {  	[smem:$0x3F9E] =	sst s0;
	s0 =	simm.s32 @!p1 $0x0  }
0x14: {  	s2 =	sld [smem:$0x3F82];
	s0 =	simm.s32 @p1 $0x1  }
0x15: {  	[smem:$0x3F9F] =	sst s0;
	s0 =	simm.s32 @!p2 $0x0  }
0x16: {  	s3 =	sld [smem:$0x3FDB];
	s0 =	simm.s32 @p2 $0x1  }
0x17: {  	s4 =	simm.s32 $0x1BF5;
	[smem:$0x3FA1] =	sst s0  }
0x18: {  	s0 =	sld [smem:$0x3F84];
	_ =	swait.ge [sflag:s4], $0x0  }
0x19: {  	s7 =	sld [smem:$0x3F85]  }
0x1a: {  	s8 =	sadd.s32 $0xFFFFE003, lr  }
0x1b: {  	s9 =	sadd.s32 $0xFFFFFEF7, lr;
	s5 =	simm.s32 $0xFFFFFFFF;
	p2 =	slt.u32 s8, $0xFFFFF086  }
0x1c: {  	p1 =	slt.u32 s9, $0xF7A;
	s5 =	simm.s32 @!p2 $0x0  }
0x1d: {  	s5 =	simm.s32 @p1 $0x1;
	p0 =	seq.s32 s7, s2  }
0x1e: {  	s7 =	smul.u32 @!p0 $0xF7A, s2;
	p2 =	seq.s32 @!p0 s5, $0x0  }
0x1f: {  	s9 =	smul.u32 $0xF7A, s1;
	s8 =	simm.s32 @!p0 $0x1BF5;
	p2 =	por !p2, p0  }
0x20: {  	[sflag:s8] =	ssyncset.s32 @!p0 $0xFFFFF086;
	s6 =	sadd.s32 @!p0 s3, s7;
	s7 =	simm.s32 @!p0 $0x108  }
0x21: {  	s3 =	sadd.s32 s3, s9;
	s6 =	sadd.s32 @!p0 $0x88, s6;
	s7 =	simm.s32 @p2 $0x1082  }
0x22: {  	[simem:s7], [sflag:s8] =	dma.local @!p0 [hbm:s6], $0xF7A  }
0x23: {  	s9 =	sor.u32 $0xD0000000, s2;
	s6 =	simm.s32 $0x108;
	_ =	swait.ge @!p0 [sflag:s8], $0x0  }
0x24: {  	s3 =	sadd.s32 $0x88, s3;
	s6 =	simm.s32 @!p1 $0x1082;
	[sflag:s4] =	ssyncset.s32 $0xFFFFF086  }
0x25: {  	[simem:s6], [sflag:s4] =	dma.local [hbm:s3], $0xF7A  }
0x26: {  	[smem:$0x3F85] =	sst s1;
	(tag) =	ssettag s2;
	_ =	strace s9  }
0x27: {  	s1 =	sld [smem:$0x3F95]  }
0x28: {  	s2 =	sld [smem:$0x3F96]  }
0x29: {  	s4 =	sld [smem:$0x3F98]  }
0x2a: {  	p0 =	seq.s32 s5, $0x0;
	s5 =	sld [smem:$0x3F99]  }
0x2b: {  	s6 =	sld [smem:$0x3F9A]  }
0x2c: {  	s7 =	sld [smem:$0x3F9B]  }
0x2d: {  	s3 =	simm.s32 $0x108;
	s8 =	sld [smem:$0x3F9C]  }
0x2e: {  	s3 =	simm.s32 @!p0 $0x1082;
	s9 =	sld [smem:$0x3F9D]  }
0x2f: {  	lr =	sadd.s32 s0, s3;
	s0 =	sld [smem:$0x3F94]  }
0x30: {  	s3 =	sld [smem:$0x3F97]  }
0x31: {  	[smem:$0x3FA0] =	sst s10  }
0x32: {  	s10 =	sld [smem:$0x3F9E];
	_ =	sdelay $0x3  }
0x33: {  	p0 =	seq.s32 s10, $0x1;
	s10 =	sld [smem:$0x3FA0];
	_ =	sdelay $0x3  }
0x34: {  	[smem:$0x3FA0] =	sst s10  }
0x35: {  	s10 =	sld [smem:$0x3F9F];
	_ =	sdelay $0x3  }
0x36: {  	p1 =	seq.s32 s10, $0x1;
	s10 =	sld [smem:$0x3FA0];
	_ =	sdelay $0x3  }
0x37: {  	[smem:$0x3FA0] =	sst s10  }
0x38: {  	s10 =	sld [smem:$0x3FA1]  }
0x39: {  	_ = 	snop;
	(pc) =	sbr.ind lr, $3  }
0x3a: {  	_ = 	snop  }
0x3b: {  	_ = 	snop  }
0x3c: {  	p2 =	seq.s32 s10, $0x1;
	s10 =	sld [smem:$0x3FA0]  }
0x3d: {  	_ =	shalt  }
0x3e: {  	_ =	shalt  }
0x3f: {  	_ =	shalt  }
0x40: {  	_ =	shalt  }
0x41: {  	_ =	shalt  }
0x42: {  	_ =	shalt  }
0x43: {  	_ =	shalt  }
0x44: {  	_ =	shalt  }
0x45: {  	_ =	shalt  }
0x46: {  	_ =	shalt  }
0x47: {  	_ =	shalt  }
0x48: {  	_ =	shalt  }
0x49: {  	_ =	shalt  }
0x4a: {  	_ =	shalt  }
0x4b: {  	_ =	shalt  }
0x4c: {  	_ =	shalt  }
0x4d: {  	_ =	shalt  }
0x4e: {  	_ =	shalt  }
0x4f: {  	_ =	shalt  }
0x50: {  	_ =	shalt  }
0x51: {  	_ =	shalt  }
0x52: {  	_ =	shalt  }
0x53: {  	_ =	shalt  }
0x54: {  	_ =	shalt  }
0x55: {  	_ =	shalt  }
0x56: {  	_ =	shalt  }
0x57: {  	_ =	shalt  }
0x58: {  	_ =	shalt  }
0x59: {  	_ =	shalt  }
0x5a: {  	_ =	shalt  }
0x5b: {  	_ =	shalt  }
0x5c: {  	_ =	shalt  }
0x5d: {  	_ =	shalt  }
0x5e: {  	_ =	shalt  }
0x5f: {  	_ =	shalt  }
0x60: {  	_ =	shalt  }
0x61: {  	_ =	shalt  }
0x62: {  	_ =	shalt  }
0x63: {  	_ =	shalt  }
0x64: {  	_ =	shalt  }
0x65: {  	_ =	shalt  }
0x66: {  	_ =	shalt  }
0x67: {  	_ =	shalt  }
0x68: {  	_ =	shalt  }
0x69: {  	_ =	shalt  }
0x6a: {  	_ =	shalt  }
0x6b: {  	_ =	shalt  }
0x6c: {  	_ =	shalt  }
0x6d: {  	_ =	shalt  }
0x6e: {  	_ =	shalt  }
0x6f: {  	_ =	shalt  }
0x70: {  	_ =	shalt  }
0x71: {  	_ =	shalt  }
0x72: {  	_ =	shalt  }
0x73: {  	_ =	shalt  }
0x74: {  	_ =	shalt  }
0x75: {  	_ =	shalt  }
0x76: {  	_ =	shalt  }
0x77: {  	_ =	shalt  }
0x78: {  	_ =	shalt  }
0x79: {  	_ =	shalt  }
0x7a: {  	_ =	shalt  }
0x7b: {  	_ =	shalt  }
0x7c: {  	_ =	shalt  }
0x7d: {  	_ =	shalt  }
0x7e: {  	_ =	shalt  }
0x7f: {  	_ =	shalt  }
0x80: {  	_ =	shalt  }
0x81: {  	_ =	shalt  }
0x82: {  	_ =	shalt  }
0x83: {  	_ =	shalt  }
0x84: {  	_ =	shalt  }
0x85: {  	_ =	shalt  }
0x86: {  	_ =	shalt  }
0x87: {  	_ =	shalt  }
.Lfunc_end0:
.L_simem_size_0:
called_computation_lowered:
.L_overlay_start_0:
0x88: {  	s2 =	sld [smem:$0x3FD9]  }
0x89: {  	s3 =	sld [smem:$0x3FFE];
	_ =	sdelay $0x1  }
0x8a: {  	s1 =	srdreg.scid  }
0x8b: {  	s0 =	sand.u32 $0x1, s1  }
0x8c: {  	s17 =	sshll.u32 s0, $0xA;
	s2 =	sadd.s32 s3, s2  }
0x8d: {  	s2 =	sadd.s32 s2, s17  }
0x8e: {  	[smem:$0x3FAC] =	sst s2  }
0x8f: {  	_ = 	snop  }
0x90: {  	s2 =	sld [smem:$0x3FBE]  }
0x91: {  	s18 =	sld [smem:$0x3FD0];
	(tm) =	ssettm $0x1  }
0x92: {  	s4 =	sld [smem:$0x3FFB];
	_ =	sdelay $0x3  }
0x93: {  	_ =	strace s4  }
0x94: {  	s4 =	sld [smem:$0x3FFC];
	_ =	sdelay $0x3  }
0x95: {  	_ =	strace s4  }
0x96: {  	s4 =	sld [smem:$0x3FFD];
	_ =	sdelay $0x3  }
0x97: {  	_ =	strace s4  }
0x98: {  	_ =	strace $0x8FFFFFFF  }
0x99: {  	s19 =	sld [smem:$0x3FDB];
	_ =	sdelay $0x1  }
0x9a: {  	s5 =	simm.s32 $_scs_section_size  }
0x9b: {  	s6 =	simm.s32 $_size__tile_overlayer_lowered;
	s7 =	simm.s32 $_tile_overlayer_lowered  }
0x9c: {  	s22 =	simm.s32 $0x1BFF;
	s21 =	sshll.u32 s7, $0x1;
	s4 =	sadd.s32 s5, s19  }
0x9d: {  	s8 =	simm.s32 $0x0;
	s20 =	sshll.u32 s6, $0x1;
	s6 =	sadd.s32 s21, s4  }
0x9e: {  	[timem:s8], [sflag:s22] =	dma.local [hbm:s6], s20  }
0x9f: {  	_ =	swait.ge [sflag:s22], s20  }
0xa0: {  	s5 =	ssub.s32 $0x0, s20;
	[sflag:s22] =	ssyncset.done $0x0  }
0xa1: {  	[sflag:s22] =	ssyncadd.s32 s5;
	_ =	sdelay $0x1  }
0xa2: {  	s23 =	simm.s32 $0x1B8B  }
0xa3: {  	_ =	swait.ge [sflag:s23], $0x1  }
0xa4: {  	[sflag:s23] =	ssyncset.done $0x0  }
0xa5: {  	s25 =	simm.s32 $0x1B8E;
	s24 =	sld [smem:$0x3FFE];
	[sflag:s23] =	ssyncadd.s32 $0xFFFFFFFF  }
0xa6: {  	s26 =	simm.s32 $execute0_lowered;
	[smem:$0x3FD2] =	sst s25  }
0xa7: {  	s6 =	sshll.u32 s26, $0x1;
	_ =	strace $0x80000046;
	[dreg:$0x1] =	wrdreg $0xFFFFFFFF  }
0xa8: {  	s28 =	simm.s32 $_size_execute0_lowered;
	s4 =	sadd.s32 s4, s6;
	[dreg:$0x0] =	wrdreg $0x0  }
0xa9: {  	s6 =	sshll.u32 s28, $0x1;
	[dreg:$0x2] =	wrdreg s4  }
0xaa: {  	[dreg:$0x3] =	wrdreg s6  }
0xab: {  	[dreg:$0x4] =	wrdreg $0xC0  }
0xac: {  	_ =	task [dreg:s8], $0x5FFFF  }
0xad: {  	[dreg:$0x1] =	wrdreg $0xFFFFFFFF  }
0xae: {  	[dreg:$0x0] =	wrdreg $0x60  }
0xaf: {  	[dreg:$0x2] =	wrdreg s2  }
0xb0: {  	[dreg:$0x3] =	wrdreg s18  }
0xb1: {  	[dreg:$0x4] =	wrdreg s24  }
0xb2: {  	[dreg:$0x5] =	wrdreg $0x9  }
0xb3: {  	_ =	task.clear_ibuf [dreg:s8], $0x6FFFF;
	_ =	strace $0x90000046  }
0xb4: {  	s29 =	simm.s32 $0x9;
	_ =	strace $0x80000048  }
0xb5: {  	_ =	swait.ge [sflag:s29], $0x1  }
0xb6: {  	[sflag:s29] =	ssyncadd.s32 $0xFFFFFFFF  }
0xb7: {  	_ =	strace $0x90000048  }
0xb8: {  	_ =	sfence  }
0xb9: {  	s30 =	sld [smem:$0x0];
	_ =	sdelay $0x2  }
0xba: {  	s31 =	sshll.u32 s1, $0xD;
	s1 =	sshrl.u32 s1, $0x2  }
0xbb: {  	s3 =	sand.u32 $0x4000, s31;
	s1 =	sadd.s32 s1, s30  }
0xbc: {  	s0 =	sor.u32 s3, s0;
	s1 =	sshll.u32 s1, $0x11  }
0xbd: {  	s0 =	sor.u32 s1, s0  }
0xbe: {  	s0 =	sadd.s32 $0x8F2B, s0  }
0xbf: {  	[sflag:s0] =	ssyncadd.remote.s32 $0x1  }
0xc0: {  	_ =	sfence.sel $0xFFFF  }
0xc1: {  	[dreg:$0x0] =	wrdreg $0xFFFFFFFF;
	(pc) =	sbr.abs _section_cstart, $3  }
0xc2: {  	[dreg:$0x1] =	wrdreg $0xFFFFFFFF  }
0xc3: {  	_ =	task.clear_ibuf [dreg:s8], $0x2FFFF;
	_ =	strace $0x9FFFFFFF  }
0xc4: {  	(tm) =	ssettm $0x7FFFFFFF  }
0xc5: {  	_ =	shalt  }
tec
execute0_lowered:
.L_overlay_start_1:
0x0: {  	(tag) =	ssettag $0x1  }
0x1: {  	s2 =	rddreg [dreg:$0x0]  }
0x2: {  	s8 =	rddreg [dreg:$0x1];
	s0 =	srdreg.scid  }
0x3: {  	s11 =	rddreg [dreg:$0x2];
	s1 =	stileid.u32;
	s5 =	simm.s32 $0x1  }
0x4: {  	s6 =	simm.s32 $0x2;
	s10 =	simm.s32 $0x3;
	s13 =	simm.s32 $0x0  }
0x5: {  	s15 =	simm.s32 $0x0;
	s3 =	sshll.u32 s0, $0x9;
	s0 =	rddreg [dreg:$0x3]  }
0x6: {  	s4 =	sshll.u32 s1, $0xA;
	_ =	strace $0x80000047;
	s3 =	sand.u32 $0x200, s3  }
0x7: {  	s14 =	simm.s32 $0x0;
	[sflag:s5] =	ssyncpa.u1 $0x0;
	s3 =	sor.u32 s4, s3  }
0x8: {  	s4 =	sadd.s32 $0x4A00, s11;
	[sflag:s6] =	ssyncpa.u1 $0x0;
	s7 =	ssub.s32 $0x4000, s3  }
.Ltmp0:
0x9: {  	[sflag:s10] =	ssyncpa.u1 $0x0;
	s9 =	sand.u32 $0x3E00, s7;
	(pc) =	sbr.rel .LBB2_1-.Ltmp0, $4  }
0xa: {  	s31 =	sshrl.u32 s3, $0x3;
	p0 =	sne.s32 s9, $0x0;
	s9 =	simm.s32 $0x1  }
0xb: {  	s10 =	sadd.s32 $0xCA00, s11;
	s7 =	sshrl.u32 s7, $0xE;
	s9 =	simm.s32 @!p0 $0x0  }
0xc: {  	s8 =	sadd.s32 s8, s31;
	p0 =	por $0x0, $0x0;
	s7 =	sadd.s32 s9, s7  }
0xd: {  	vm0 =	vmmov $0xffff;
	s9 =	sadd.s32 $0x8A00, s11;
	s11 =	sadd.s32 $0x10A00, s11;
	s12 =	sadd.s32 $0x1, s7  }
.LBB2_4:
0xe: {  	_ =	sdelay $0x3  }
0xf: {  	[tilespmem:s21], [sflag:$0x1] =	stream.indirect_vreg.gather [hbm4b:s2+s13], $0x1, v0, vm0, $0x4038;
	[tilespmem:$0x8400] =	vst v63  }
0x10: {  	s18 =	sshll.u32 s15, $0x3  }
0x11: {  	s24 =	sand.u32 $0x78, s15;
	s18 =	sand.u32 $0x7FFFFC00, s18  }
0x12: {  	_ =	swait.ge [sflag:s5], $0x4000;
	s15 =	sor.u32 s24, s18  }
0x13: {  	[sflag:s5] =	ssyncset.done $0x0;
	s15 =	sshrl.u32 s15, $0x3  }
0x14: {  	[sflag:s5] =	ssyncadd.s32 $0xFFFFC000;
	s25 =	sadd.s32 s4, s15  }
0x15: {  	[hbm:s25] =	stream.linear.scatter [tilespmem:s17], [sflag:$0x3], $0x1000, $0x38;
	[tilespmem:$0x8400] =	vst v63  }
0x16: {  	s26 =	sadd.s32 $0x1400, s16;
	s28 =	sadd.s32 s15, s9  }
0x17: {  	[hbm:s28] =	stream.linear.scatter [tilespmem:s26], [sflag:$0x3], $0x1000, $0x38;
	[tilespmem:$0x8400] =	vst v63  }
0x18: {  	s29 =	sadd.s32 $0x2400, s16;
	s30 =	sadd.s32 s15, s10  }
0x19: {  	[hbm:s30] =	stream.linear.scatter [tilespmem:s29], [sflag:$0x3], $0x1000, $0x38;
	[tilespmem:$0x8400] =	vst v63  }
0x1a: {  	s31 =	sadd.s32 $0x3400, s16;
	s15 =	sadd.s32 s15, s11  }
0x1b: {  	[hbm:s15] =	stream.linear.scatter [tilespmem:s31], [sflag:$0x3], $0x1000, $0x38;
	[tilespmem:$0x8400] =	vst v63  }
.LBB2_5:
0x1c: {  	p2 =	sne.s32 s14, s12  }
.Ltmp1:
0x1d: {  	p1 =	slt.u32 s14, $0x2;
	(pc) =	sbr.rel @!p2 .LBB2_6-.Ltmp1, $4  }
0x1e: {  	s15 =	simm.s32 @!p1 $0x3  }
0x1f: {  	_ =	swait.ge @!p1 [sflag:s15], $0x4000  }
0x20: {  	s16 =	sadd.s32 $0x1, s14;
	p0 =	por !p0, !p0;
	[sflag:s15] =	ssyncset.done @!p1 $0x0  }
0x21: {  	s14 =	smov.u32 s16;
	[sflag:s15] =	ssyncadd.s32 @!p1 $0xFFFFC000;
	s15 =	smov.u32 s3  }
.LBB2_1:
0x22: {  	p1 =	sge.u32 s14, s7  }
0x23: {  	s16 =	sxor.u32 @!p1 $0xFFFFFFFF, s14  }
0x24: {  	s16 =	sshll.u32 @!p1 s16, $0x9  }
0x25: {  	s31 =	sadd.s32 $0xFFFFFFFF, s14;
	s17 =	simm.s32 @!p1 $0x0;
	s16 =	sand.u32 @!p1 $0x200, s16  }
0x26: {  	[tilespmem:s16], [sflag:$0x2] =	stream.linear.gather @!p1 [hbm4b:s8+s17], $0x200, $0x38;
	[tilespmem:$0x8400] =	vst v63  }
0x27: {  	p1 =	sge.u32 s31, s7  }
.Ltmp2:
0x28: {  	_ = 	snop;
	(pc) =	sbr.rel @p1 .LBB2_5-.Ltmp2, $1  }
0x29: {  	_ =	sdelay $0x3  }
0x2a: {  	s16 =	simm.s32 $0x1;
	_ =	swait.ge [sflag:s6], $0x200  }
0x2b: {  	s16 =	simm.s32 @!p0 $0x0;
	[sflag:s6] =	ssyncset.done $0x0  }
0x2c: {  	s19 =	sshll.u32 s16, $0x9;
	[sflag:s6] =	ssyncadd.s32 $0xFFFFFE00  }
0x2d: {  	v0 =	vld.msk [tilespmem:s19+$0x0 ss:$0x1], $0xffff;
	_ =	sdelay $0x4  }
0x2e: {  	vm1 =	vgt.s32 v0, $0x0  }
0x2f: {  	v0 =	vnsel vm1, $0x0, v0  }
0x30: {  	v0 =	vmin.u32 v0, $0xF4240  }
0x31: {  	v1 =	vshll.u32 v0, $0x3  }
0x32: {  	v0 =	vand.u32 $0x7F, v0;
	v1 =	vand.u32 $0x7FFC00, v1  }
0x33: {  	s22 =	sshll.u32 s14, $0xE;
	v0 =	vor.u32 v0, v1  }
0x34: {  	s18 =	simm.s32 $0x0;
	s16 =	sand.u32 $0x4000, s22  }
0x35: {  	s20 =	sand.u32 $0xC00, s18;
	s17 =	sor.u32 $0x400, s16  }
0x36: {  	s21 =	sand.u32 $0x70, s18;
	(ifvalue) =	ssetifvalue $0x7FFFFFFF;
	s20 =	sadd.s32 s20, s17;
	v1 =	vor.u32 $0x80, v0  }
0x37: {  	(ifvalue) =	ssetifvalue $0x7FFFFFFF;
	s20 =	sadd.s32 s21, s20  }
0x38: {  	[tilespmem:s20], [sflag:$0x1] =	stream.indirect_vreg.gather [hbm4b:s2+s13], $0x1, v0, vm0, $0x4038;
	[tilespmem:$0x8400] =	vst v63  }
0x39: {  	v2 =	vor.u32 $0x100, v0;
	(ifvalue) =	ssetifvalue $0x7FFFFFFF  }
0x3a: {  	s21 =	sadd.s32 $0x80, s20;
	(ifvalue) =	ssetifvalue $0x7FFFFFFF  }
0x3b: {  	[tilespmem:s21], [sflag:$0x1] =	stream.indirect_vreg.gather [hbm4b:s2+s13], $0x1, v1, vm0, $0x4038;
	[tilespmem:$0x8400] =	vst v63  }
0x3c: {  	v1 =	vor.u32 $0x180, v0;
	(ifvalue) =	ssetifvalue $0x7FFFFFFF  }
0x3d: {  	s23 =	sadd.s32 $0x100, s20;
	(ifvalue) =	ssetifvalue $0x7FFFFFFF  }
0x3e: {  	[tilespmem:s23], [sflag:$0x1] =	stream.indirect_vreg.gather [hbm4b:s2+s13], $0x1, v2, vm0, $0x4038;
	[tilespmem:$0x8400] =	vst v63  }
0x3f: {  	v2 =	vor.u32 $0x200, v0;
	(ifvalue) =	ssetifvalue $0x7FFFFFFF  }
0x40: {  	s24 =	sadd.s32 $0x180, s20;
	(ifvalue) =	ssetifvalue $0x7FFFFFFF  }
0x41: {  	[tilespmem:s24], [sflag:$0x1] =	stream.indirect_vreg.gather [hbm4b:s2+s13], $0x1, v1, vm0, $0x4038;
	[tilespmem:$0x8400] =	vst v63  }
0x42: {  	(ifvalue) =	ssetifvalue $0x7FFFFFFF;
	v1 =	vor.u32 $0x280, v0  }
0x43: {  	s25 =	sadd.s32 $0x200, s20;
	(ifvalue) =	ssetifvalue $0x7FFFFFFF  }
0x44: {  	[tilespmem:s25], [sflag:$0x1] =	stream.indirect_vreg.gather [hbm4b:s2+s13], $0x1, v2, vm0, $0x4038;
	[tilespmem:$0x8400] =	vst v63  }
0x45: {  	(ifvalue) =	ssetifvalue $0x7FFFFFFF;
	v2 =	vor.u32 $0x300, v0  }
0x46: {  	s26 =	sadd.s32 $0x280, s20;
	(ifvalue) =	ssetifvalue $0x7FFFFFFF  }
0x47: {  	[tilespmem:s26], [sflag:$0x1] =	stream.indirect_vreg.gather [hbm4b:s2+s13], $0x1, v1, vm0, $0x4038;
	[tilespmem:$0x8400] =	vst v63  }
0x48: {  	(ifvalue) =	ssetifvalue $0x7FFFFFFF;
	v1 =	vor.u32 $0x380, v0  }
0x49: {  	s18 =	sor.u32 s18, s18;
	s28 =	sadd.s32 $0x300, s20;
	(ifvalue) =	ssetifvalue $0x7FFFFFFF  }
0x4a: {  	[tilespmem:s28], [sflag:$0x1] =	stream.indirect_vreg.gather [hbm4b:s2+s13], $0x1, v2, vm0, $0x4038;
	[tilespmem:$0x8400] =	vst v63  }
0x4b: {  	s18 =	sor.u32 $0x380, s18;
	(ifvalue) =	ssetifvalue $0x7FFFFFFF;
	v2 =	vadd.s32 $0x7A1400, v0  }
0x4c: {  	s18 =	sadd.s32 s18, s17;
	(ifvalue) =	ssetifvalue $0x7FFFFFFF  }
0x4d: {  	[tilespmem:s18], [sflag:$0x1] =	stream.indirect_vreg.gather [hbm4b:s2+s13], $0x1, v1, vm0, $0x4038;
	[tilespmem:$0x8400] =	vst v63  }
0x4e: {  	(ifvalue) =	ssetifvalue $0x7FFFFFFF;
	v1 =	vadd.s32 $0x7A1480, v0  }
0x4f: {  	s29 =	sadd.s32 $0x1000, s20;
	(ifvalue) =	ssetifvalue $0x7FFFFFFF  }
0x50: {  	[tilespmem:s29], [sflag:$0x1] =	stream.indirect_vreg.gather [hbm4b:s2+s13], $0x1, v2, vm0, $0x4038;
	[tilespmem:$0x8400] =	vst v63  }
0x51: {  	(ifvalue) =	ssetifvalue $0x7FFFFFFF;
	v2 =	vadd.s32 $0x7A1500, v0  }
0x52: {  	s30 =	sadd.s32 $0x1080, s20;
	(ifvalue) =	ssetifvalue $0x7FFFFFFF  }
0x53: {  	[tilespmem:s30], [sflag:$0x1] =	stream.indirect_vreg.gather [hbm4b:s2+s13], $0x1, v1, vm0, $0x4038;
	[tilespmem:$0x8400] =	vst v63  }
0x54: {  	(ifvalue) =	ssetifvalue $0x7FFFFFFF;
	v1 =	vadd.s32 $0x7A1580, v0  }
0x55: {  	s31 =	sadd.s32 $0x1100, s20;
	(ifvalue) =	ssetifvalue $0x7FFFFFFF  }
0x56: {  	[tilespmem:s31], [sflag:$0x1] =	stream.indirect_vreg.gather [hbm4b:s2+s13], $0x1, v2, vm0, $0x4038;
	[tilespmem:$0x8400] =	vst v63  }
0x57: {  	(ifvalue) =	ssetifvalue $0x7FFFFFFF;
	v2 =	vadd.s32 $0x7A1600, v0  }
0x58: {  	s21 =	sadd.s32 $0x1180, s20;
	(ifvalue) =	ssetifvalue $0x7FFFFFFF  }
0x59: {  	[tilespmem:s21], [sflag:$0x1] =	stream.indirect_vreg.gather [hbm4b:s2+s13], $0x1, v1, vm0, $0x4038;
	[tilespmem:$0x8400] =	vst v63  }
0x5a: {  	(ifvalue) =	ssetifvalue $0x7FFFFFFF;
	v1 =	vadd.s32 $0x7A1680, v0  }
0x5b: {  	s22 =	sadd.s32 $0x1200, s20;
	(ifvalue) =	ssetifvalue $0x7FFFFFFF  }
0x5c: {  	[tilespmem:s22], [sflag:$0x1] =	stream.indirect_vreg.gather [hbm4b:s2+s13], $0x1, v2, vm0, $0x4038;
	[tilespmem:$0x8400] =	vst v63  }
0x5d: {  	(ifvalue) =	ssetifvalue $0x7FFFFFFF;
	v2 =	vadd.s32 $0x7A1700, v0  }
0x5e: {  	s23 =	sadd.s32 $0x1280, s20;
	(ifvalue) =	ssetifvalue $0x7FFFFFFF  }
0x5f: {  	[tilespmem:s23], [sflag:$0x1] =	stream.indirect_vreg.gather [hbm4b:s2+s13], $0x1, v1, vm0, $0x4038;
	[tilespmem:$0x8400] =	vst v63  }
0x60: {  	(ifvalue) =	ssetifvalue $0x7FFFFFFF;
	v1 =	vadd.s32 $0x7A1780, v0  }
0x61: {  	s24 =	sadd.s32 $0x1300, s20;
	(ifvalue) =	ssetifvalue $0x7FFFFFFF  }
0x62: {  	[tilespmem:s24], [sflag:$0x1] =	stream.indirect_vreg.gather [hbm4b:s2+s13], $0x1, v2, vm0, $0x4038;
	[tilespmem:$0x8400] =	vst v63  }
0x63: {  	(ifvalue) =	ssetifvalue $0x7FFFFFFF;
	v2 =	vadd.s32 $0xF42800, v0  }
0x64: {  	s25 =	sadd.s32 $0x1380, s20;
	(ifvalue) =	ssetifvalue $0x7FFFFFFF  }
0x65: {  	[tilespmem:s25], [sflag:$0x1] =	stream.indirect_vreg.gather [hbm4b:s2+s13], $0x1, v1, vm0, $0x4038;
	[tilespmem:$0x8400] =	vst v63  }
0x66: {  	(ifvalue) =	ssetifvalue $0x7FFFFFFF;
	v1 =	vadd.s32 $0xF42880, v0  }
0x67: {  	s26 =	sadd.s32 $0x2000, s20;
	(ifvalue) =	ssetifvalue $0x7FFFFFFF  }
0x68: {  	[tilespmem:s26], [sflag:$0x1] =	stream.indirect_vreg.gather [hbm4b:s2+s13], $0x1, v2, vm0, $0x4038;
	[tilespmem:$0x8400] =	vst v63  }
0x69: {  	(ifvalue) =	ssetifvalue $0x7FFFFFFF;
	v2 =	vadd.s32 $0xF42900, v0  }
0x6a: {  	s28 =	sadd.s32 $0x2080, s20;
	(ifvalue) =	ssetifvalue $0x7FFFFFFF  }
0x6b: {  	[tilespmem:s28], [sflag:$0x1] =	stream.indirect_vreg.gather [hbm4b:s2+s13], $0x1, v1, vm0, $0x4038;
	[tilespmem:$0x8400] =	vst v63  }
0x6c: {  	(ifvalue) =	ssetifvalue $0x7FFFFFFF;
	v1 =	vadd.s32 $0xF42980, v0  }
0x6d: {  	s29 =	sadd.s32 $0x2100, s20;
	(ifvalue) =	ssetifvalue $0x7FFFFFFF  }
0x6e: {  	[tilespmem:s29], [sflag:$0x1] =	stream.indirect_vreg.gather [hbm4b:s2+s13], $0x1, v2, vm0, $0x4038;
	[tilespmem:$0x8400] =	vst v63  }
0x6f: {  	(ifvalue) =	ssetifvalue $0x7FFFFFFF;
	v2 =	vadd.s32 $0xF42A00, v0  }
0x70: {  	s30 =	sadd.s32 $0x2180, s20;
	(ifvalue) =	ssetifvalue $0x7FFFFFFF  }
0x71: {  	[tilespmem:s30], [sflag:$0x1] =	stream.indirect_vreg.gather [hbm4b:s2+s13], $0x1, v1, vm0, $0x4038;
	[tilespmem:$0x8400] =	vst v63  }
0x72: {  	(ifvalue) =	ssetifvalue $0x7FFFFFFF;
	v1 =	vadd.s32 $0xF42A80, v0  }
0x73: {  	s31 =	sadd.s32 $0x2200, s20;
	(ifvalue) =	ssetifvalue $0x7FFFFFFF  }
0x74: {  	[tilespmem:s31], [sflag:$0x1] =	stream.indirect_vreg.gather [hbm4b:s2+s13], $0x1, v2, vm0, $0x4038;
	[tilespmem:$0x8400] =	vst v63  }
0x75: {  	(ifvalue) =	ssetifvalue $0x7FFFFFFF;
	v2 =	vadd.s32 $0xF42B00, v0  }
0x76: {  	s21 =	sadd.s32 $0x2280, s20;
	(ifvalue) =	ssetifvalue $0x7FFFFFFF  }
0x77: {  	[tilespmem:s21], [sflag:$0x1] =	stream.indirect_vreg.gather [hbm4b:s2+s13], $0x1, v1, vm0, $0x4038;
	[tilespmem:$0x8400] =	vst v63  }
0x78: {  	(ifvalue) =	ssetifvalue $0x7FFFFFFF;
	v1 =	vadd.s32 $0xF42B80, v0  }
0x79: {  	s22 =	sadd.s32 $0x2300, s20;
	(ifvalue) =	ssetifvalue $0x7FFFFFFF  }
0x7a: {  	[tilespmem:s22], [sflag:$0x1] =	stream.indirect_vreg.gather [hbm4b:s2+s13], $0x1, v2, vm0, $0x4038;
	[tilespmem:$0x8400] =	vst v63  }
0x7b: {  	(ifvalue) =	ssetifvalue $0x7FFFFFFF;
	v2 =	vadd.s32 $0x16E3C00, v0  }
0x7c: {  	s23 =	sadd.s32 $0x2380, s20;
	(ifvalue) =	ssetifvalue $0x7FFFFFFF  }
0x7d: {  	[tilespmem:s23], [sflag:$0x1] =	stream.indirect_vreg.gather [hbm4b:s2+s13], $0x1, v1, vm0, $0x4038;
	[tilespmem:$0x8400] =	vst v63  }
0x7e: {  	(ifvalue) =	ssetifvalue $0x7FFFFFFF;
	v1 =	vadd.s32 $0x16E3C80, v0  }
0x7f: {  	s24 =	sadd.s32 $0x3000, s20;
	(ifvalue) =	ssetifvalue $0x7FFFFFFF  }
0x80: {  	[tilespmem:s24], [sflag:$0x1] =	stream.indirect_vreg.gather [hbm4b:s2+s13], $0x1, v2, vm0, $0x4038;
	[tilespmem:$0x8400] =	vst v63  }
0x81: {  	(ifvalue) =	ssetifvalue $0x7FFFFFFF;
	v2 =	vadd.s32 $0x16E3D00, v0  }
0x82: {  	s25 =	sadd.s32 $0x3080, s20;
	(ifvalue) =	ssetifvalue $0x7FFFFFFF  }
0x83: {  	[tilespmem:s25], [sflag:$0x1] =	stream.indirect_vreg.gather [hbm4b:s2+s13], $0x1, v1, vm0, $0x4038;
	[tilespmem:$0x8400] =	vst v63  }
0x84: {  	(ifvalue) =	ssetifvalue $0x7FFFFFFF;
	v1 =	vadd.s32 $0x16E3D80, v0  }
0x85: {  	s26 =	sadd.s32 $0x3100, s20;
	(ifvalue) =	ssetifvalue $0x7FFFFFFF  }
0x86: {  	[tilespmem:s26], [sflag:$0x1] =	stream.indirect_vreg.gather [hbm4b:s2+s13], $0x1, v2, vm0, $0x4038;
	[tilespmem:$0x8400] =	vst v63  }
0x87: {  	(ifvalue) =	ssetifvalue $0x7FFFFFFF;
	v2 =	vadd.s32 $0x16E3E00, v0  }
0x88: {  	s28 =	sadd.s32 $0x3180, s20;
	(ifvalue) =	ssetifvalue $0x7FFFFFFF  }
0x89: {  	[tilespmem:s28], [sflag:$0x1] =	stream.indirect_vreg.gather [hbm4b:s2+s13], $0x1, v1, vm0, $0x4038;
	[tilespmem:$0x8400] =	vst v63  }
0x8a: {  	(ifvalue) =	ssetifvalue $0x7FFFFFFF;
	v1 =	vadd.s32 $0x16E3E80, v0  }
0x8b: {  	s29 =	sadd.s32 $0x3200, s20;
	(ifvalue) =	ssetifvalue $0x7FFFFFFF  }
0x8c: {  	[tilespmem:s29], [sflag:$0x1] =	stream.indirect_vreg.gather [hbm4b:s2+s13], $0x1, v2, vm0, $0x4038;
	[tilespmem:$0x8400] =	vst v63  }
0x8d: {  	(ifvalue) =	ssetifvalue $0x7FFFFFFF;
	v2 =	vadd.s32 $0x16E3F00, v0  }
0x8e: {  	s30 =	sadd.s32 $0x3280, s20;
	(ifvalue) =	ssetifvalue $0x7FFFFFFF  }
0x8f: {  	[tilespmem:s30], [sflag:$0x1] =	stream.indirect_vreg.gather [hbm4b:s2+s13], $0x1, v1, vm0, $0x4038;
	[tilespmem:$0x8400] =	vst v63  }
0x90: {  	v0 =	vadd.s32 $0x16E3F80, v0;
	(ifvalue) =	ssetifvalue $0x7FFFFFFF  }
0x91: {  	s31 =	sadd.s32 $0x3300, s20;
	(ifvalue) =	ssetifvalue $0x7FFFFFFF  }
0x92: {  	[tilespmem:s31], [sflag:$0x1] =	stream.indirect_vreg.gather [hbm4b:s2+s13], $0x1, v2, vm0, $0x4038;
	[tilespmem:$0x8400] =	vst v63  }
0x93: {  	s19 =	sadd.s32 $0x10, s19;
	s18 =	simm.s32 $0x10;
	(ifvalue) =	ssetifvalue $0x7FFFFFFF  }
0x94: {  	s21 =	sadd.s32 $0x3380, s20;
	s20 =	simm.s32 $0x80;
	(ifvalue) =	ssetifvalue $0x7FFFFFFF  }
.LBB2_3:
0x95: {  	[tilespmem:s21], [sflag:$0x1] =	stream.indirect_vreg.gather [hbm4b:s2+s13], $0x1, v0, vm0, $0x4038;
	[tilespmem:$0x8400] =	vst v63  }
0x96: {  	p1 =	sne.s32 s18, $0x1F0;
	s22 =	smov.u32 s18;
	s18 =	sadd.s32 $0x10, s18;
	v0 =	vld.msk [tilespmem:s19+$0x0 ss:$0x1], $0xffff  }
0x97: {  	(ifvalue) =	ssetifvalue $0x7FFFFFFF;
	_ =	sdelay $0x4  }
0x98: {  	vm1 =	vgt.s32 v0, $0x0  }
0x99: {  	v0 =	vnsel vm1, $0x0, v0  }
0x9a: {  	v0 =	vmin.u32 v0, $0xF4240  }
0x9b: {  	v1 =	vshll.u32 v0, $0x3  }
0x9c: {  	v0 =	vand.u32 $0x7F, v0;
	v1 =	vand.u32 $0x7FFC00, v1  }
0x9d: {  	v0 =	vor.u32 v0, v1;
	_ =	sdelay $0x1  }
0x9e: {  	s21 =	sand.u32 $0xC00, s20  }
0x9f: {  	s23 =	sand.u32 $0x70, s22;
	s21 =	sadd.s32 s21, s17;
	v1 =	vor.u32 $0x80, v0  }
0xa0: {  	s21 =	sadd.s32 s23, s21;
	(ifvalue) =	ssetifvalue $0x7FFFFFFF  }
0xa1: {  	[tilespmem:s21], [sflag:$0x1] =	stream.indirect_vreg.gather [hbm4b:s2+s13], $0x1, v0, vm0, $0x4038;
	[tilespmem:$0x8400] =	vst v63  }
0xa2: {  	v2 =	vor.u32 $0x100, v0;
	(ifvalue) =	ssetifvalue $0x7FFFFFFF  }
0xa3: {  	s23 =	sadd.s32 $0x80, s21;
	(ifvalue) =	ssetifvalue $0x7FFFFFFF  }
0xa4: {  	[tilespmem:s23], [sflag:$0x1] =	stream.indirect_vreg.gather [hbm4b:s2+s13], $0x1, v1, vm0, $0x4038;
	[tilespmem:$0x8400] =	vst v63  }
0xa5: {  	v1 =	vor.u32 $0x180, v0;
	(ifvalue) =	ssetifvalue $0x7FFFFFFF  }
0xa6: {  	s23 =	sadd.s32 $0x100, s21;
	(ifvalue) =	ssetifvalue $0x7FFFFFFF  }
0xa7: {  	[tilespmem:s23], [sflag:$0x1] =	stream.indirect_vreg.gather [hbm4b:s2+s13], $0x1, v2, vm0, $0x4038;
	[tilespmem:$0x8400] =	vst v63  }
0xa8: {  	v2 =	vor.u32 $0x200, v0;
	(ifvalue) =	ssetifvalue $0x7FFFFFFF  }
0xa9: {  	s23 =	sadd.s32 $0x180, s21;
	(ifvalue) =	ssetifvalue $0x7FFFFFFF  }
0xaa: {  	[tilespmem:s23], [sflag:$0x1] =	stream.indirect_vreg.gather [hbm4b:s2+s13], $0x1, v1, vm0, $0x4038;
	[tilespmem:$0x8400] =	vst v63  }
0xab: {  	v1 =	vor.u32 $0x280, v0;
	(ifvalue) =	ssetifvalue $0x7FFFFFFF  }
0xac: {  	s23 =	sadd.s32 $0x200, s21;
	(ifvalue) =	ssetifvalue $0x7FFFFFFF  }
0xad: {  	[tilespmem:s23], [sflag:$0x1] =	stream.indirect_vreg.gather [hbm4b:s2+s13], $0x1, v2, vm0, $0x4038;
	[tilespmem:$0x8400] =	vst v63  }
0xae: {  	v2 =	vor.u32 $0x300, v0;
	(ifvalue) =	ssetifvalue $0x7FFFFFFF  }
0xaf: {  	s23 =	sadd.s32 $0x280, s21;
	(ifvalue) =	ssetifvalue $0x7FFFFFFF  }
0xb0: {  	[tilespmem:s23], [sflag:$0x1] =	stream.indirect_vreg.gather [hbm4b:s2+s13], $0x1, v1, vm0, $0x4038;
	[tilespmem:$0x8400] =	vst v63  }
0xb1: {  	v1 =	vor.u32 $0x380, v0;
	(ifvalue) =	ssetifvalue $0x7FFFFFFF  }
0xb2: {  	s22 =	sor.u32 s20, s22;
	s23 =	sadd.s32 $0x300, s21;
	(ifvalue) =	ssetifvalue $0x7FFFFFFF  }
0xb3: {  	[tilespmem:s23], [sflag:$0x1] =	stream.indirect_vreg.gather [hbm4b:s2+s13], $0x1, v2, vm0, $0x4038;
	[tilespmem:$0x8400] =	vst v63  }
0xb4: {  	s22 =	sor.u32 $0x380, s22;
	v2 =	vadd.s32 $0x7A1400, v0;
	(ifvalue) =	ssetifvalue $0x7FFFFFFF  }
0xb5: {  	s22 =	sadd.s32 s22, s17;
	(ifvalue) =	ssetifvalue $0x7FFFFFFF  }
0xb6: {  	[tilespmem:s22], [sflag:$0x1] =	stream.indirect_vreg.gather [hbm4b:s2+s13], $0x1, v1, vm0, $0x4038;
	[tilespmem:$0x8400] =	vst v63  }
0xb7: {  	v1 =	vadd.s32 $0x7A1480, v0;
	(ifvalue) =	ssetifvalue $0x7FFFFFFF  }
0xb8: {  	s22 =	sadd.s32 $0x1000, s21;
	(ifvalue) =	ssetifvalue $0x7FFFFFFF  }
0xb9: {  	[tilespmem:s22], [sflag:$0x1] =	stream.indirect_vreg.gather [hbm4b:s2+s13], $0x1, v2, vm0, $0x4038;
	[tilespmem:$0x8400] =	vst v63  }
0xba: {  	v2 =	vadd.s32 $0x7A1500, v0;
	(ifvalue) =	ssetifvalue $0x7FFFFFFF  }
0xbb: {  	s22 =	sadd.s32 $0x1080, s21;
	(ifvalue) =	ssetifvalue $0x7FFFFFFF  }
0xbc: {  	[tilespmem:s22], [sflag:$0x1] =	stream.indirect_vreg.gather [hbm4b:s2+s13], $0x1, v1, vm0, $0x4038;
	[tilespmem:$0x8400] =	vst v63  }
0xbd: {  	v1 =	vadd.s32 $0x7A1580, v0;
	(ifvalue) =	ssetifvalue $0x7FFFFFFF  }
0xbe: {  	s22 =	sadd.s32 $0x1100, s21;
	(ifvalue) =	ssetifvalue $0x7FFFFFFF  }
0xbf: {  	[tilespmem:s22], [sflag:$0x1] =	stream.indirect_vreg.gather [hbm4b:s2+s13], $0x1, v2, vm0, $0x4038;
	[tilespmem:$0x8400] =	vst v63  }
0xc0: {  	v2 =	vadd.s32 $0x7A1600, v0;
	(ifvalue) =	ssetifvalue $0x7FFFFFFF  }
0xc1: {  	s22 =	sadd.s32 $0x1180, s21;
	(ifvalue) =	ssetifvalue $0x7FFFFFFF  }
0xc2: {  	[tilespmem:s22], [sflag:$0x1] =	stream.indirect_vreg.gather [hbm4b:s2+s13], $0x1, v1, vm0, $0x4038;
	[tilespmem:$0x8400] =	vst v63  }
0xc3: {  	v1 =	vadd.s32 $0x7A1680, v0;
	(ifvalue) =	ssetifvalue $0x7FFFFFFF  }
0xc4: {  	s22 =	sadd.s32 $0x1200, s21;
	(ifvalue) =	ssetifvalue $0x7FFFFFFF  }
0xc5: {  	[tilespmem:s22], [sflag:$0x1] =	stream.indirect_vreg.gather [hbm4b:s2+s13], $0x1, v2, vm0, $0x4038;
	[tilespmem:$0x8400] =	vst v63  }
0xc6: {  	v2 =	vadd.s32 $0x7A1700, v0;
	(ifvalue) =	ssetifvalue $0x7FFFFFFF  }
0xc7: {  	s22 =	sadd.s32 $0x1280, s21;
	(ifvalue) =	ssetifvalue $0x7FFFFFFF  }
0xc8: {  	[tilespmem:s22], [sflag:$0x1] =	stream.indirect_vreg.gather [hbm4b:s2+s13], $0x1, v1, vm0, $0x4038;
	[tilespmem:$0x8400] =	vst v63  }
0xc9: {  	v1 =	vadd.s32 $0x7A1780, v0;
	(ifvalue) =	ssetifvalue $0x7FFFFFFF  }
0xca: {  	s22 =	sadd.s32 $0x1300, s21;
	(ifvalue) =	ssetifvalue $0x7FFFFFFF  }
0xcb: {  	[tilespmem:s22], [sflag:$0x1] =	stream.indirect_vreg.gather [hbm4b:s2+s13], $0x1, v2, vm0, $0x4038;
	[tilespmem:$0x8400] =	vst v63  }
0xcc: {  	v2 =	vadd.s32 $0xF42800, v0;
	(ifvalue) =	ssetifvalue $0x7FFFFFFF  }
0xcd: {  	s22 =	sadd.s32 $0x1380, s21;
	(ifvalue) =	ssetifvalue $0x7FFFFFFF  }
0xce: {  	[tilespmem:s22], [sflag:$0x1] =	stream.indirect_vreg.gather [hbm4b:s2+s13], $0x1, v1, vm0, $0x4038;
	[tilespmem:$0x8400] =	vst v63  }
0xcf: {  	v1 =	vadd.s32 $0xF42880, v0;
	(ifvalue) =	ssetifvalue $0x7FFFFFFF  }
0xd0: {  	s22 =	sadd.s32 $0x2000, s21;
	(ifvalue) =	ssetifvalue $0x7FFFFFFF  }
0xd1: {  	[tilespmem:s22], [sflag:$0x1] =	stream.indirect_vreg.gather [hbm4b:s2+s13], $0x1, v2, vm0, $0x4038;
	[tilespmem:$0x8400] =	vst v63  }
0xd2: {  	v2 =	vadd.s32 $0xF42900, v0;
	(ifvalue) =	ssetifvalue $0x7FFFFFFF  }
0xd3: {  	s22 =	sadd.s32 $0x2080, s21;
	(ifvalue) =	ssetifvalue $0x7FFFFFFF  }
0xd4: {  	[tilespmem:s22], [sflag:$0x1] =	stream.indirect_vreg.gather [hbm4b:s2+s13], $0x1, v1, vm0, $0x4038;
	[tilespmem:$0x8400] =	vst v63  }
0xd5: {  	v1 =	vadd.s32 $0xF42980, v0;
	(ifvalue) =	ssetifvalue $0x7FFFFFFF  }
0xd6: {  	s22 =	sadd.s32 $0x2100, s21;
	(ifvalue) =	ssetifvalue $0x7FFFFFFF  }
0xd7: {  	[tilespmem:s22], [sflag:$0x1] =	stream.indirect_vreg.gather [hbm4b:s2+s13], $0x1, v2, vm0, $0x4038;
	[tilespmem:$0x8400] =	vst v63  }
0xd8: {  	v2 =	vadd.s32 $0xF42A00, v0;
	(ifvalue) =	ssetifvalue $0x7FFFFFFF  }
0xd9: {  	s22 =	sadd.s32 $0x2180, s21;
	(ifvalue) =	ssetifvalue $0x7FFFFFFF  }
0xda: {  	[tilespmem:s22], [sflag:$0x1] =	stream.indirect_vreg.gather [hbm4b:s2+s13], $0x1, v1, vm0, $0x4038;
	[tilespmem:$0x8400] =	vst v63  }
0xdb: {  	v1 =	vadd.s32 $0xF42A80, v0;
	(ifvalue) =	ssetifvalue $0x7FFFFFFF  }
0xdc: {  	s22 =	sadd.s32 $0x2200, s21;
	(ifvalue) =	ssetifvalue $0x7FFFFFFF  }
0xdd: {  	[tilespmem:s22], [sflag:$0x1] =	stream.indirect_vreg.gather [hbm4b:s2+s13], $0x1, v2, vm0, $0x4038;
	[tilespmem:$0x8400] =	vst v63  }
0xde: {  	v2 =	vadd.s32 $0xF42B00, v0;
	(ifvalue) =	ssetifvalue $0x7FFFFFFF  }
0xdf: {  	s22 =	sadd.s32 $0x2280, s21;
	(ifvalue) =	ssetifvalue $0x7FFFFFFF  }
0xe0: {  	[tilespmem:s22], [sflag:$0x1] =	stream.indirect_vreg.gather [hbm4b:s2+s13], $0x1, v1, vm0, $0x4038;
	[tilespmem:$0x8400] =	vst v63  }
0xe1: {  	v1 =	vadd.s32 $0xF42B80, v0;
	(ifvalue) =	ssetifvalue $0x7FFFFFFF  }
0xe2: {  	s22 =	sadd.s32 $0x2300, s21;
	(ifvalue) =	ssetifvalue $0x7FFFFFFF  }
0xe3: {  	[tilespmem:s22], [sflag:$0x1] =	stream.indirect_vreg.gather [hbm4b:s2+s13], $0x1, v2, vm0, $0x4038;
	[tilespmem:$0x8400] =	vst v63  }
0xe4: {  	v2 =	vadd.s32 $0x16E3C00, v0;
	(ifvalue) =	ssetifvalue $0x7FFFFFFF  }
0xe5: {  	s22 =	sadd.s32 $0x2380, s21;
	(ifvalue) =	ssetifvalue $0x7FFFFFFF  }
0xe6: {  	[tilespmem:s22], [sflag:$0x1] =	stream.indirect_vreg.gather [hbm4b:s2+s13], $0x1, v1, vm0, $0x4038;
	[tilespmem:$0x8400] =	vst v63  }
0xe7: {  	v1 =	vadd.s32 $0x16E3C80, v0;
	(ifvalue) =	ssetifvalue $0x7FFFFFFF  }
0xe8: {  	s22 =	sadd.s32 $0x3000, s21;
	(ifvalue) =	ssetifvalue $0x7FFFFFFF  }
0xe9: {  	[tilespmem:s22], [sflag:$0x1] =	stream.indirect_vreg.gather [hbm4b:s2+s13], $0x1, v2, vm0, $0x4038;
	[tilespmem:$0x8400] =	vst v63  }
0xea: {  	v2 =	vadd.s32 $0x16E3D00, v0;
	(ifvalue) =	ssetifvalue $0x7FFFFFFF  }
0xeb: {  	s22 =	sadd.s32 $0x3080, s21;
	(ifvalue) =	ssetifvalue $0x7FFFFFFF  }
0xec: {  	[tilespmem:s22], [sflag:$0x1] =	stream.indirect_vreg.gather [hbm4b:s2+s13], $0x1, v1, vm0, $0x4038;
	[tilespmem:$0x8400] =	vst v63  }
0xed: {  	v1 =	vadd.s32 $0x16E3D80, v0;
	(ifvalue) =	ssetifvalue $0x7FFFFFFF  }
0xee: {  	s22 =	sadd.s32 $0x3100, s21;
	(ifvalue) =	ssetifvalue $0x7FFFFFFF  }
0xef: {  	[tilespmem:s22], [sflag:$0x1] =	stream.indirect_vreg.gather [hbm4b:s2+s13], $0x1, v2, vm0, $0x4038;
	[tilespmem:$0x8400] =	vst v63  }
0xf0: {  	v2 =	vadd.s32 $0x16E3E00, v0;
	(ifvalue) =	ssetifvalue $0x7FFFFFFF  }
0xf1: {  	s22 =	sadd.s32 $0x3180, s21;
	(ifvalue) =	ssetifvalue $0x7FFFFFFF  }
0xf2: {  	[tilespmem:s22], [sflag:$0x1] =	stream.indirect_vreg.gather [hbm4b:s2+s13], $0x1, v1, vm0, $0x4038;
	[tilespmem:$0x8400] =	vst v63  }
0xf3: {  	v1 =	vadd.s32 $0x16E3E80, v0;
	(ifvalue) =	ssetifvalue $0x7FFFFFFF  }
0xf4: {  	s22 =	sadd.s32 $0x3200, s21;
	(ifvalue) =	ssetifvalue $0x7FFFFFFF  }
0xf5: {  	[tilespmem:s22], [sflag:$0x1] =	stream.indirect_vreg.gather [hbm4b:s2+s13], $0x1, v2, vm0, $0x4038;
	[tilespmem:$0x8400] =	vst v63  }
0xf6: {  	v2 =	vadd.s32 $0x16E3F00, v0;
	(ifvalue) =	ssetifvalue $0x7FFFFFFF  }
0xf7: {  	s22 =	sadd.s32 $0x3280, s21;
	(ifvalue) =	ssetifvalue $0x7FFFFFFF  }
0xf8: {  	[tilespmem:s22], [sflag:$0x1] =	stream.indirect_vreg.gather [hbm4b:s2+s13], $0x1, v1, vm0, $0x4038;
	[tilespmem:$0x8400] =	vst v63  }
.Ltmp3:
0xf9: {  	v0 =	vadd.s32 $0x16E3F80, v0;
	(ifvalue) =	ssetifvalue $0x7FFFFFFF;
	(pc) =	sbr.rel @p1 .LBB2_3-.Ltmp3, $4  }
0xfa: {  	s22 =	sadd.s32 $0x3300, s21;
	(ifvalue) =	ssetifvalue $0x7FFFFFFF  }
0xfb: {  	[tilespmem:s22], [sflag:$0x1] =	stream.indirect_vreg.gather [hbm4b:s2+s13], $0x1, v2, vm0, $0x4038;
	[tilespmem:$0x8400] =	vst v63  }
0xfc: {  	s19 =	sadd.s32 $0x10, s19;
	(ifvalue) =	ssetifvalue $0x7FFFFFFF  }
0xfd: {  	s20 =	sadd.s32 $0x80, s20;
	s21 =	sadd.s32 $0x3380, s21;
	(ifvalue) =	ssetifvalue $0x7FFFFFFF  }
.Ltmp4:
0xfe: {  	_ = 	snop;
	(pc) =	sbr.rel .LBB2_4-.Ltmp4, $1  }
0xff: {  	_ =	sdelay $0x3  }
.LBB2_6:
0x100: {  	_ =	sfence.sel $0x180000  }
0x101: {  	s2 =	simm.s32 $0x2;
	[bflag:$0x0] =	sbarrier.arrive $0xFFFF  }
0x102: {  	s30 =	simm.s32 $0x3;
	[sflag:s2] =	ssyncpa.u1 $0x1  }
0x103: {  	s31 =	simm.s32 $0x1;
	[sflag:s30] =	ssyncpa.u1 $0x1  }
0x104: {  	[sflag:s31] =	ssyncpa.u1 $0x1  }
0x105: {  	p0 =	sne.s32 s1, $0x0;
	_ =	strace $0x90000047  }
0x106: {  	s0 =	sadd.s32 @!p0 $0x100000, s0;
	[bflag:$0x2] =	sbarrier.arrive $0xFFFF  }
0x107: {  	[sflag:s0] =	ssyncadd.tile.s32 @!p0 $0x1;
	_ =	shalt  }
.Lfunc_end2:
_tile_overlayer_lowered:
.L_overlay_start_2:
0x108: {  	(tag) =	ssettag $0x2  }
0x109: {  	s0 =	rddreg [dreg:$0x0];
	s2 =	stileid.u32  }
0x10a: {  	s1 =	rddreg [dreg:$0x1];
	p0 =	sne.s32 s2, $0x0  }
0x10b: {  	s3 =	rddreg [dreg:$0x2];
	[bflag:$0x3] =	sbarrier.arrive $0xFFFF;
	s2 =	simm.s32 @!p0 $0x1C01  }
0x10c: {  	[timem:s3], [sflag:s2] =	dma.local @!p0 [hbm:s0], s1  }
0x10d: {  	s0 =	simm.s32 @!p0 $0x1  }
0x10e: {  	_ =	swait.ge @!p0 [sflag:s0], s1  }
0x10f: {  	s1 =	ssub.s32 @!p0 $0x0, s1;
	[sflag:s0] =	ssyncset.done @!p0 $0x0  }
0x110: {  	[sflag:s0] =	ssyncadd.s32 @!p0 s1  }
0x111: {  	[bflag:$0x3] =	sbarrier.arrive $0xFFFF  }
0x112: {  	_ =	shalt  }

// kernel: kernel.4.cloned.1.call-start
scs
__scs_entry_jumppad:
0x0: {  	(pc) =	sbr.rel $0x88, $3  }
0x1: {  	(tag) =	ssettag $0x0;
	lr =	simm.s32 $0x1  }
0x2: {  	[smem:$0x3F85] =	sst lr;
	_ =	strace $0xD0000000  }
0x3: {  	_ = 	snop  }
0x4: {  	_ = 	snop  }
0x5: {  	_ = 	snop  }
0x6: {  	_ = 	snop  }
0x7: {  	_ = 	snop  }
__scs_overlays_trampoline_lowered:
0x8: {  	[smem:$0x3F94] =	sst s0  }
0x9: {  	[smem:$0x3F95] =	sst s1  }
0xa: {  	[smem:$0x3F96] =	sst s2  }
0xb: {  	[smem:$0x3F97] =	sst s3  }
0xc: {  	[smem:$0x3F98] =	sst s4  }
0xd: {  	[smem:$0x3F99] =	sst s5  }
0xe: {  	[smem:$0x3F9A] =	sst s6  }
0xf: {  	[smem:$0x3F9B] =	sst s7  }
0x10: {  	[smem:$0x3F9C] =	sst s8  }
0x11: {  	[smem:$0x3F9D] =	sst s9;
	s0 =	simm.s32 @!p0 $0x0  }
0x12: {  	s1 =	sld [smem:$0x3F83];
	s0 =	simm.s32 @p0 $0x1  }
0x13: {  	[smem:$0x3F9E] =	sst s0;
	s0 =	simm.s32 @!p1 $0x0  }
0x14: {  	s2 =	sld [smem:$0x3F82];
	s0 =	simm.s32 @p1 $0x1  }
0x15: {  	[smem:$0x3F9F] =	sst s0;
	s0 =	simm.s32 @!p2 $0x0  }
0x16: {  	s3 =	sld [smem:$0x3FDB];
	s0 =	simm.s32 @p2 $0x1  }
0x17: {  	s4 =	simm.s32 $0x1BF5;
	[smem:$0x3FA1] =	sst s0  }
0x18: {  	s0 =	sld [smem:$0x3F84];
	_ =	swait.ge [sflag:s4], $0x0  }
0x19: {  	s7 =	sld [smem:$0x3F85]  }
0x1a: {  	s8 =	sadd.s32 $0xFFFFE003, lr  }
0x1b: {  	s9 =	sadd.s32 $0xFFFFFEF7, lr;
	s5 =	simm.s32 $0xFFFFFFFF;
	p2 =	slt.u32 s8, $0xFFFFF086  }
0x1c: {  	p1 =	slt.u32 s9, $0xF7A;
	s5 =	simm.s32 @!p2 $0x0  }
0x1d: {  	s5 =	simm.s32 @p1 $0x1;
	p0 =	seq.s32 s7, s2  }
0x1e: {  	s7 =	smul.u32 @!p0 $0xF7A, s2;
	p2 =	seq.s32 @!p0 s5, $0x0  }
0x1f: {  	s9 =	smul.u32 $0xF7A, s1;
	s8 =	simm.s32 @!p0 $0x1BF5;
	p2 =	por !p2, p0  }
0x20: {  	[sflag:s8] =	ssyncset.s32 @!p0 $0xFFFFF086;
	s6 =	sadd.s32 @!p0 s3, s7;
	s7 =	simm.s32 @!p0 $0x108  }
0x21: {  	s3 =	sadd.s32 s3, s9;
	s6 =	sadd.s32 @!p0 $0x88, s6;
	s7 =	simm.s32 @p2 $0x1082  }
0x22: {  	[simem:s7], [sflag:s8] =	dma.local @!p0 [hbm:s6], $0xF7A  }
0x23: {  	s9 =	sor.u32 $0xD0000000, s2;
	s6 =	simm.s32 $0x108;
	_ =	swait.ge @!p0 [sflag:s8], $0x0  }
0x24: {  	s3 =	sadd.s32 $0x88, s3;
	s6 =	simm.s32 @!p1 $0x1082;
	[sflag:s4] =	ssyncset.s32 $0xFFFFF086  }
0x25: {  	[simem:s6], [sflag:s4] =	dma.local [hbm:s3], $0xF7A  }
0x26: {  	[smem:$0x3F85] =	sst s1;
	(tag) =	ssettag s2;
	_ =	strace s9  }
0x27: {  	s1 =	sld [smem:$0x3F95]  }
0x28: {  	s2 =	sld [smem:$0x3F96]  }
0x29: {  	s4 =	sld [smem:$0x3F98]  }
0x2a: {  	p0 =	seq.s32 s5, $0x0;
	s5 =	sld [smem:$0x3F99]  }
0x2b: {  	s6 =	sld [smem:$0x3F9A]  }
0x2c: {  	s7 =	sld [smem:$0x3F9B]  }
0x2d: {  	s3 =	simm.s32 $0x108;
	s8 =	sld [smem:$0x3F9C]  }
0x2e: {  	s3 =	simm.s32 @!p0 $0x1082;
	s9 =	sld [smem:$0x3F9D]  }
0x2f: {  	lr =	sadd.s32 s0, s3;
	s0 =	sld [smem:$0x3F94]  }
0x30: {  	s3 =	sld [smem:$0x3F97]  }
0x31: {  	[smem:$0x3FA0] =	sst s10  }
0x32: {  	s10 =	sld [smem:$0x3F9E];
	_ =	sdelay $0x3  }
0x33: {  	p0 =	seq.s32 s10, $0x1;
	s10 =	sld [smem:$0x3FA0];
	_ =	sdelay $0x3  }
0x34: {  	[smem:$0x3FA0] =	sst s10  }
0x35: {  	s10 =	sld [smem:$0x3F9F];
	_ =	sdelay $0x3  }
0x36: {  	p1 =	seq.s32 s10, $0x1;
	s10 =	sld [smem:$0x3FA0];
	_ =	sdelay $0x3  }
0x37: {  	[smem:$0x3FA0] =	sst s10  }
0x38: {  	s10 =	sld [smem:$0x3FA1]  }
0x39: {  	_ = 	snop;
	(pc) =	sbr.ind lr, $3  }
0x3a: {  	_ = 	snop  }
0x3b: {  	_ = 	snop  }
0x3c: {  	p2 =	seq.s32 s10, $0x1;
	s10 =	sld [smem:$0x3FA0]  }
0x3d: {  	_ =	shalt  }
0x3e: {  	_ =	shalt  }
0x3f: {  	_ =	shalt  }
0x40: {  	_ =	shalt  }
0x41: {  	_ =	shalt  }
0x42: {  	_ =	shalt  }
0x43: {  	_ =	shalt  }
0x44: {  	_ =	shalt  }
0x45: {  	_ =	shalt  }
0x46: {  	_ =	shalt  }
0x47: {  	_ =	shalt  }
0x48: {  	_ =	shalt  }
0x49: {  	_ =	shalt  }
0x4a: {  	_ =	shalt  }
0x4b: {  	_ =	shalt  }
0x4c: {  	_ =	shalt  }
0x4d: {  	_ =	shalt  }
0x4e: {  	_ =	shalt  }
0x4f: {  	_ =	shalt  }
0x50: {  	_ =	shalt  }
0x51: {  	_ =	shalt  }
0x52: {  	_ =	shalt  }
0x53: {  	_ =	shalt  }
0x54: {  	_ =	shalt  }
0x55: {  	_ =	shalt  }
0x56: {  	_ =	shalt  }
0x57: {  	_ =	shalt  }
0x58: {  	_ =	shalt  }
0x59: {  	_ =	shalt  }
0x5a: {  	_ =	shalt  }
0x5b: {  	_ =	shalt  }
0x5c: {  	_ =	shalt  }
0x5d: {  	_ =	shalt  }
0x5e: {  	_ =	shalt  }
0x5f: {  	_ =	shalt  }
0x60: {  	_ =	shalt  }
0x61: {  	_ =	shalt  }
0x62: {  	_ =	shalt  }
0x63: {  	_ =	shalt  }
0x64: {  	_ =	shalt  }
0x65: {  	_ =	shalt  }
0x66: {  	_ =	shalt  }
0x67: {  	_ =	shalt  }
0x68: {  	_ =	shalt  }
0x69: {  	_ =	shalt  }
0x6a: {  	_ =	shalt  }
0x6b: {  	_ =	shalt  }
0x6c: {  	_ =	shalt  }
0x6d: {  	_ =	shalt  }
0x6e: {  	_ =	shalt  }
0x6f: {  	_ =	shalt  }
0x70: {  	_ =	shalt  }
0x71: {  	_ =	shalt  }
0x72: {  	_ =	shalt  }
0x73: {  	_ =	shalt  }
0x74: {  	_ =	shalt  }
0x75: {  	_ =	shalt  }
0x76: {  	_ =	shalt  }
0x77: {  	_ =	shalt  }
0x78: {  	_ =	shalt  }
0x79: {  	_ =	shalt  }
0x7a: {  	_ =	shalt  }
0x7b: {  	_ =	shalt  }
0x7c: {  	_ =	shalt  }
0x7d: {  	_ =	shalt  }
0x7e: {  	_ =	shalt  }
0x7f: {  	_ =	shalt  }
0x80: {  	_ =	shalt  }
0x81: {  	_ =	shalt  }
0x82: {  	_ =	shalt  }
0x83: {  	_ =	shalt  }
0x84: {  	_ =	shalt  }
0x85: {  	_ =	shalt  }
0x86: {  	_ =	shalt  }
0x87: {  	_ =	shalt  }
.Lfunc_end0:
.L_simem_size_0:
called_computation.1_lowered:
.L_overlay_start_0:
0x88: {  	s2 =	sld [smem:$0x3FD9]  }
0x89: {  	s3 =	sld [smem:$0x3FFE];
	_ =	sdelay $0x1  }
0x8a: {  	s1 =	srdreg.scid  }
0x8b: {  	s0 =	sand.u32 $0x1, s1  }
0x8c: {  	s17 =	sshll.u32 s0, $0xA;
	s2 =	sadd.s32 s3, s2  }
0x8d: {  	s2 =	sadd.s32 s2, s17  }
0x8e: {  	[smem:$0x3FAC] =	sst s2  }
0x8f: {  	_ = 	snop  }
0x90: {  	s18 =	sld [smem:$0x3FC8]  }
0x91: {  	s4 =	sld [smem:$0x3FC6];
	(tm) =	ssettm $0x1  }
0x92: {  	s19 =	sld [smem:$0x3FFB];
	_ =	sdelay $0x3  }
0x93: {  	_ =	strace s19  }
0x94: {  	s2 =	sld [smem:$0x3FFC];
	_ =	sdelay $0x3  }
0x95: {  	_ =	strace s2  }
0x96: {  	s2 =	sld [smem:$0x3FFD];
	_ =	sdelay $0x3  }
0x97: {  	_ =	strace s2  }
0x98: {  	_ =	strace $0x8FFFFFFF  }
0x99: {  	s20 =	sld [smem:$0x3FDB];
	_ =	sdelay $0x1  }
0x9a: {  	s5 =	simm.s32 $_scs_section_size  }
0x9b: {  	s6 =	simm.s32 $_size__tile_overlayer_lowered;
	s7 =	simm.s32 $_tile_overlayer_lowered  }
0x9c: {  	s8 =	simm.s32 $0x1BFF;
	s21 =	sshll.u32 s7, $0x1;
	s5 =	sadd.s32 s5, s20  }
0x9d: {  	s22 =	simm.s32 $0x0;
	s6 =	sshll.u32 s6, $0x1;
	s7 =	sadd.s32 s21, s5  }
0x9e: {  	[timem:s22], [sflag:s8] =	dma.local [hbm:s7], s6  }
0x9f: {  	_ =	swait.ge [sflag:s8], s6  }
0xa0: {  	s6 =	ssub.s32 $0x0, s6;
	[sflag:s8] =	ssyncset.done $0x0  }
0xa1: {  	[sflag:s8] =	ssyncadd.s32 s6;
	_ =	sdelay $0x1  }
0xa2: {  	s23 =	simm.s32 $0x1B8B  }
0xa3: {  	_ =	swait.ge [sflag:s23], $0x1  }
0xa4: {  	[sflag:s23] =	ssyncset.done $0x0  }
0xa5: {  	[sflag:s23] =	ssyncadd.s32 $0xFFFFFFFF  }
0xa6: {  	s6 =	sld [smem:$0x0]  }
0xa7: {  	s7 =	sand.u32 $0xFFFFFFFE, s1  }
0xa8: {  	p0 =	sne.s32 s1, s7  }
0xa9: {  	s7 =	sshll.u32 @p0 s7, $0xE  }
0xaa: {  	s7 =	sadd.s32 @p0 $0x11B8D, s7;
	s8 =	sshll.u32 @p0 s6, $0x11  }
0xab: {  	s7 =	sor.u32 @p0 s8, s7  }
0xac: {  	[sflag:s7] =	ssyncadd.remote.s32 @p0 $0x1;
	_ =	sdelay $0x1  }
0xad: {  	s7 =	simm.s32 @p0 $0x1B8D  }
0xae: {  	_ =	swait.eq @p0 [sflag:s7], $0x1  }
0xaf: {  	[sflag:s7] =	ssyncadd.s32 @p0 $0xFFFFFFFF  }
0xb0: {  	s8 =	sshll.u32 @!p0 s1, $0xE  }
0xb1: {  	s8 =	sor.u32 @!p0 $0x4000, s8;
	s7 =	simm.s32 @!p0 $0x1B8D  }
0xb2: {  	s6 =	sshll.u32 @!p0 s6, $0x11;
	s8 =	sadd.s32 @!p0 $0x11B8D, s8;
	_ =	swait.eq @!p0 [sflag:s7], $0x1  }
0xb3: {  	s6 =	sor.u32 @!p0 s6, s8;
	[sflag:s7] =	ssyncadd.s32 @!p0 $0xFFFFFFFF  }
0xb4: {  	s25 =	simm.s32 $0x1B8E;
	s24 =	sld [smem:$0x3FFE];
	[sflag:s6] =	ssyncadd.remote.s32 @!p0 $0x1  }
0xb5: {  	s26 =	simm.s32 $execute0_lowered;
	[smem:$0x3FD2] =	sst s25  }
0xb6: {  	s7 =	sshll.u32 s26, $0x1;
	_ =	strace $0x80000049;
	[dreg:$0x1] =	wrdreg $0xFFFFFFFF  }
0xb7: {  	s28 =	simm.s32 $_size_execute0_lowered;
	s5 =	sadd.s32 s5, s7;
	[dreg:$0x0] =	wrdreg $0x0  }
0xb8: {  	s7 =	sshll.u32 s28, $0x1;
	[dreg:$0x2] =	wrdreg s5  }
0xb9: {  	[dreg:$0x3] =	wrdreg s7  }
0xba: {  	[dreg:$0x4] =	wrdreg $0xC0  }
0xbb: {  	_ =	task [dreg:s22], $0x5FFFF  }
0xbc: {  	[dreg:$0x1] =	wrdreg $0xFFFFFFFF  }
0xbd: {  	[dreg:$0x0] =	wrdreg $0x60  }
0xbe: {  	[dreg:$0x2] =	wrdreg s24  }
0xbf: {  	[dreg:$0x3] =	wrdreg s18  }
0xc0: {  	[dreg:$0x4] =	wrdreg s4  }
0xc1: {  	[dreg:$0x5] =	wrdreg $0xA  }
0xc2: {  	_ =	task.clear_ibuf [dreg:s22], $0x6FFFF;
	_ =	strace $0x90000049  }
0xc3: {  	s29 =	simm.s32 $0xA;
	_ =	strace $0x8000004B  }
0xc4: {  	_ =	swait.ge [sflag:s29], $0x1  }
0xc5: {  	[sflag:s29] =	ssyncadd.s32 $0xFFFFFFFF  }
0xc6: {  	_ =	strace $0x9000004B  }
0xc7: {  	_ =	sfence  }
0xc8: {  	s30 =	sld [smem:$0x0];
	_ =	sdelay $0x2  }
0xc9: {  	s31 =	sshll.u32 s1, $0xD;
	s1 =	sshrl.u32 s1, $0x2  }
0xca: {  	s4 =	sand.u32 $0x4000, s31;
	s1 =	sadd.s32 s1, s30  }
0xcb: {  	s0 =	sor.u32 s4, s0;
	s1 =	sshll.u32 s1, $0x11  }
0xcc: {  	s0 =	sor.u32 s1, s0  }
0xcd: {  	s0 =	sadd.s32 $0x8F2B, s0  }
0xce: {  	[sflag:s0] =	ssyncadd.remote.s32 $0x1  }
0xcf: {  	_ =	sfence.sel $0xFFFF  }
0xd0: {  	[dreg:$0x0] =	wrdreg $0xFFFFFFFF;
	(pc) =	sbr.abs _section_cstart, $3  }
0xd1: {  	[dreg:$0x1] =	wrdreg $0xFFFFFFFF  }
0xd2: {  	_ =	task.clear_ibuf [dreg:s22], $0x2FFFF;
	_ =	strace $0x9FFFFFFF  }
0xd3: {  	(tm) =	ssettm $0x7FFFFFFF  }
tec
execute0_lowered:
.L_overlay_start_1:
0x0: {  	(tag) =	ssettag $0x1  }
0x1: {  	s24 =	rddreg [dreg:$0x0]  }
0x2: {  	s3 =	rddreg [dreg:$0x1]  }
0x3: {  	s1 =	srdreg.scid;
	s0 =	stileid.u32  }
0x4: {  	s5 =	rddreg [dreg:$0x2];
	s26 =	sand.u32 $0x1, s1;
	s4 =	sshll.u32 s0, $0x1  }
0x5: {  	s2 =	simm.s32 $0x0;
	s1 =	rddreg [dreg:$0x3];
	s25 =	sor.u32 s26, s4  }
0x6: {  	[smem:$0x7FF] =	sst s2;
	s6 =	sshll.u32 s25, $0x6  }
0x7: {  	_ =	strace $0x8000004A;
	s4 =	sadd.s32 s3, s6;
	s3 =	simm.s32 $0x3  }
0x8: {  	[tilespmem:s2], [sflag:$0x3] =	stream.linear.gather [hbm4b:s4+s2], $0x200, $0x38;
	[tilespmem:$0x8400] =	vst v63  }
0x9: {  	_ =	swait.ge [sflag:s3], $0x200  }
0xa: {  	[sflag:s3] =	ssyncset.done $0x0  }
0xb: {  	s5 =	sadd.s32 s5, s6;
	s6 =	simm.s32 $0x200;
	[sflag:s3] =	ssyncadd.s32 $0xFFFFFE00  }
0xc: {  	[tilespmem:s6], [sflag:$0x3] =	stream.linear.gather [hbm4b:s5+s2], $0x200, $0x38;
	[tilespmem:$0x8400] =	vst v63  }
0xd: {  	_ =	swait.ge [sflag:s3], $0x200  }
0xe: {  	s8 =	simm.s32 $0x80;
	[sflag:s3] =	ssyncset.done $0x0  }
0xf: {  	s9 =	simm.s32 $0x400;
	s7 =	sadd.s32 $0x1FD200, s24;
	[sflag:s3] =	ssyncadd.s32 $0xFFFFFE00  }
0x10: {  	[tilespmem:s9], [sflag:$0x1] =	stream.indirect.gather [hbm4b:s7+s8], $0x20, s2, s8, $0xb8;
	[tilespmem:$0x8400] =	vst v63  }
0x11: {  	s10 =	simm.s32 $0x1400  }
0x12: {  	[tilespmem:s10], [sflag:$0x1] =	stream.indirect.gather [hbm4b:s7+s8], $0x20, s8, s8, $0xb8;
	[tilespmem:$0x8400] =	vst v63  }
0x13: {  	s11 =	simm.s32 $0x100;
	s12 =	simm.s32 $0x2400  }
0x14: {  	[tilespmem:s12], [sflag:$0x1] =	stream.indirect.gather [hbm4b:s7+s8], $0x20, s11, s8, $0xb8;
	[tilespmem:$0x8400] =	vst v63  }
0x15: {  	s13 =	simm.s32 $0x180;
	s14 =	simm.s32 $0x3400  }
0x16: {  	[tilespmem:s14], [sflag:$0x1] =	stream.indirect.gather [hbm4b:s7+s8], $0x20, s13, s8, $0xb8;
	[tilespmem:$0x8400] =	vst v63  }
0x17: {  	s16 =	simm.s32 $0x4400;
	s15 =	sadd.s32 $0x19B600, s24  }
0x18: {  	[tilespmem:s16], [sflag:$0x2] =	stream.indirect.gather [hbm4b:s15+s8], $0x20, s6, s8, $0xb8;
	[tilespmem:$0x8400] =	vst v63  }
0x19: {  	s17 =	simm.s32 $0x280;
	s18 =	simm.s32 $0x5400  }
0x1a: {  	[tilespmem:s18], [sflag:$0x2] =	stream.indirect.gather [hbm4b:s15+s8], $0x20, s17, s8, $0xb8;
	[tilespmem:$0x8400] =	vst v63  }
0x1b: {  	s19 =	simm.s32 $0x300;
	s20 =	simm.s32 $0x6400  }
0x1c: {  	[tilespmem:s20], [sflag:$0x2] =	stream.indirect.gather [hbm4b:s15+s8], $0x20, s19, s8, $0xb8;
	[tilespmem:$0x8400] =	vst v63  }
0x1d: {  	s21 =	simm.s32 $0x380;
	s22 =	simm.s32 $0x7400;
	s23 =	simm.s32 $0x1  }
0x1e: {  	[tilespmem:s22], [sflag:$0x2] =	stream.indirect.gather [hbm4b:s15+s8], $0x20, s21, s8, $0xb8;
	[tilespmem:$0x8400] =	vst v63  }
0x1f: {  	_ =	swait.ge [sflag:s23], $0x1000  }
0x20: {  	[sflag:s23] =	ssyncset.done $0x0  }
0x21: {  	[sflag:s23] =	ssyncadd.s32 $0xFFFFF000  }
0x22: {  	_ =	swait.ge [sflag:s23], $0x1000  }
0x23: {  	[sflag:s23] =	ssyncset.done $0x0  }
0x24: {  	[sflag:s23] =	ssyncadd.s32 $0xFFFFF000  }
0x25: {  	_ =	swait.ge [sflag:s23], $0x1000  }
0x26: {  	[sflag:s23] =	ssyncset.done $0x0  }
0x27: {  	[sflag:s23] =	ssyncadd.s32 $0xFFFFF000  }
0x28: {  	s25 =	sshll.u32 s25, $0xB;
	_ =	swait.ge [sflag:s23], $0x1000  }
0x29: {  	s28 =	sadd.s32 s25, s24;
	[sflag:s23] =	ssyncset.done $0x0  }
0x2a: {  	s24 =	sadd.s32 $0x24A00, s28;
	[sflag:s23] =	ssyncadd.s32 $0xFFFFF000  }
0x2b: {  	[hbm4b:s24+s2] =	stream.linear.scatter [tilespmem:s9], [sflag:$0x3], $0x4000, $0x38;
	[tilespmem:$0x8400] =	vst v63  }
0x2c: {  	_ =	swait.ge [sflag:s3], $0x4000  }
0x2d: {  	[sflag:s3] =	ssyncset.done $0x0  }
0x2e: {  	s25 =	simm.s32 $0x2;
	[sflag:s3] =	ssyncadd.s32 $0xFFFFC000  }
0x2f: {  	_ =	swait.ge [sflag:s25], $0x1000  }
0x30: {  	[sflag:s25] =	ssyncset.done $0x0  }
0x31: {  	[sflag:s25] =	ssyncadd.s32 $0xFFFFF000  }
0x32: {  	_ =	swait.ge [sflag:s25], $0x1000  }
0x33: {  	[sflag:s25] =	ssyncset.done $0x0  }
0x34: {  	s26 =	ssub.s32 $0x2, s26;
	[sflag:s25] =	ssyncadd.s32 $0xFFFFF000  }
0x35: {  	s29 =	sshrl.u32 s26, $0x1;
	_ =	swait.ge [sflag:s25], $0x1000  }
0x36: {  	s29 =	ssub.s32 s26, s29;
	[sflag:s25] =	ssyncset.done $0x0  }
0x37: {  	s26 =	sadd.s32 $0x14A00, s28;
	s28 =	smax.u32 s29, $0x1;
	[sflag:s25] =	ssyncadd.s32 $0xFFFFF000  }
0x38: {  	p0 =	sne.s32 s28, $0x1;
	_ =	swait.ge [sflag:s25], $0x1000  }
.Ltmp0:
0x39: {  	[sflag:s25] =	ssyncset.done $0x0;
	(pc) =	sbr.rel @!p0 .LBB2_2-.Ltmp0, $4  }
0x3a: {  	[sflag:s25] =	ssyncadd.s32 $0xFFFFF000  }
0x3b: {  	[hbm4b:s26+s2] =	stream.linear.scatter [tilespmem:s16], [sflag:$0x3], $0x4000, $0x38;
	[tilespmem:$0x8400] =	vst v63  }
0x3c: {  	_ =	swait.ge [sflag:s3], $0x4000  }
0x3d: {  	s28 =	sadd.s32 $0xFFFFFFFF, s28;
	[sflag:s3] =	ssyncset.done $0x0  }
.LBB2_1:
0x3e: {  	p0 =	sne.s32 s28, $0x1;
	s28 =	sadd.s32 $0xFFFFFFFF, s28;
	[sflag:s3] =	ssyncadd.s32 $0xFFFFC000  }
0x3f: {  	[tilespmem:s2], [sflag:$0x3] =	stream.linear.gather [hbm4b:s4+s2], $0x200, $0x38;
	[tilespmem:$0x8400] =	vst v63  }
0x40: {  	_ =	swait.ge [sflag:s3], $0x200  }
0x41: {  	[sflag:s3] =	ssyncset.done $0x0  }
0x42: {  	[sflag:s3] =	ssyncadd.s32 $0xFFFFFE00  }
0x43: {  	[tilespmem:s6], [sflag:$0x3] =	stream.linear.gather [hbm4b:s5+s2], $0x200, $0x38;
	[tilespmem:$0x8400] =	vst v63  }
0x44: {  	_ =	swait.ge [sflag:s3], $0x200  }
0x45: {  	[sflag:s3] =	ssyncset.done $0x0  }
0x46: {  	[sflag:s3] =	ssyncadd.s32 $0xFFFFFE00  }
0x47: {  	[tilespmem:s9], [sflag:$0x1] =	stream.indirect.gather [hbm4b:s7+s8], $0x20, s2, s8, $0xb8;
	[tilespmem:$0x8400] =	vst v63  }
0x48: {  	_ = 	snop  }
0x49: {  	[tilespmem:s10], [sflag:$0x1] =	stream.indirect.gather [hbm4b:s7+s8], $0x20, s8, s8, $0xb8;
	[tilespmem:$0x8400] =	vst v63  }
0x4a: {  	_ = 	snop  }
0x4b: {  	[tilespmem:s12], [sflag:$0x1] =	stream.indirect.gather [hbm4b:s7+s8], $0x20, s11, s8, $0xb8;
	[tilespmem:$0x8400] =	vst v63  }
0x4c: {  	_ = 	snop  }
0x4d: {  	[tilespmem:s14], [sflag:$0x1] =	stream.indirect.gather [hbm4b:s7+s8], $0x20, s13, s8, $0xb8;
	[tilespmem:$0x8400] =	vst v63  }
0x4e: {  	_ = 	snop  }
0x4f: {  	[tilespmem:s16], [sflag:$0x2] =	stream.indirect.gather [hbm4b:s15+s8], $0x20, s6, s8, $0xb8;
	[tilespmem:$0x8400] =	vst v63  }
0x50: {  	_ = 	snop  }
0x51: {  	[tilespmem:s18], [sflag:$0x2] =	stream.indirect.gather [hbm4b:s15+s8], $0x20, s17, s8, $0xb8;
	[tilespmem:$0x8400] =	vst v63  }
0x52: {  	_ = 	snop  }
0x53: {  	[tilespmem:s20], [sflag:$0x2] =	stream.indirect.gather [hbm4b:s15+s8], $0x20, s19, s8, $0xb8;
	[tilespmem:$0x8400] =	vst v63  }
0x54: {  	_ = 	snop  }
0x55: {  	[tilespmem:s22], [sflag:$0x2] =	stream.indirect.gather [hbm4b:s15+s8], $0x20, s21, s8, $0xb8;
	[tilespmem:$0x8400] =	vst v63  }
0x56: {  	_ =	swait.ge [sflag:s23], $0x1000  }
0x57: {  	[sflag:s23] =	ssyncset.done $0x0  }
0x58: {  	[sflag:s23] =	ssyncadd.s32 $0xFFFFF000  }
0x59: {  	_ =	swait.ge [sflag:s23], $0x1000  }
0x5a: {  	[sflag:s23] =	ssyncset.done $0x0  }
0x5b: {  	[sflag:s23] =	ssyncadd.s32 $0xFFFFF000  }
0x5c: {  	_ =	swait.ge [sflag:s23], $0x1000  }
0x5d: {  	[sflag:s23] =	ssyncset.done $0x0  }
0x5e: {  	[sflag:s23] =	ssyncadd.s32 $0xFFFFF000  }
0x5f: {  	_ =	swait.ge [sflag:s23], $0x1000  }
0x60: {  	[sflag:s23] =	ssyncset.done $0x0  }
0x61: {  	[sflag:s23] =	ssyncadd.s32 $0xFFFFF000  }
0x62: {  	[hbm4b:s24+s2] =	stream.linear.scatter [tilespmem:s9], [sflag:$0x3], $0x4000, $0x38;
	[tilespmem:$0x8400] =	vst v63  }
0x63: {  	_ =	swait.ge [sflag:s3], $0x4000  }
0x64: {  	[sflag:s3] =	ssyncset.done $0x0  }
0x65: {  	[sflag:s3] =	ssyncadd.s32 $0xFFFFC000  }
0x66: {  	_ =	swait.ge [sflag:s25], $0x1000  }
0x67: {  	[sflag:s25] =	ssyncset.done $0x0  }
0x68: {  	[sflag:s25] =	ssyncadd.s32 $0xFFFFF000  }
0x69: {  	_ =	swait.ge [sflag:s25], $0x1000  }
0x6a: {  	[sflag:s25] =	ssyncset.done $0x0  }
0x6b: {  	[sflag:s25] =	ssyncadd.s32 $0xFFFFF000  }
0x6c: {  	_ =	swait.ge [sflag:s25], $0x1000  }
0x6d: {  	[sflag:s25] =	ssyncset.done $0x0  }
0x6e: {  	[sflag:s25] =	ssyncadd.s32 $0xFFFFF000  }
0x6f: {  	_ =	swait.ge [sflag:s25], $0x1000  }
.Ltmp1:
0x70: {  	[sflag:s25] =	ssyncset.done $0x0;
	(pc) =	sbr.rel @p0 .LBB2_1-.Ltmp1, $4  }
0x71: {  	[sflag:s25] =	ssyncadd.s32 $0xFFFFF000  }
0x72: {  	[hbm4b:s26+s2] =	stream.linear.scatter [tilespmem:s16], [sflag:$0x3], $0x4000, $0x38;
	[tilespmem:$0x8400] =	vst v63  }
0x73: {  	_ =	swait.ge [sflag:s3], $0x4000  }
0x74: {  	[sflag:s3] =	ssyncset.done $0x0  }
.LBB2_2:
0x75: {  	[sflag:s3] =	ssyncadd.s32 $0xFFFFC000  }
0x76: {  	_ =	sfence.sel $0x180000  }
0x77: {  	[bflag:$0x0] =	sbarrier.arrive $0xFFFF  }
0x78: {  	p0 =	sne.s32 s0, $0x0;
	_ =	strace $0x9000004A  }
0x79: {  	s0 =	sadd.s32 @!p0 $0x100000, s1;
	[bflag:$0x2] =	sbarrier.arrive $0xFFFF  }
0x7a: {  	[sflag:s0] =	ssyncadd.tile.s32 @!p0 $0x1;
	_ =	shalt  }
.Lfunc_end2:
_tile_overlayer_lowered:
.L_overlay_start_2:
0x7b: {  	(tag) =	ssettag $0x2  }
0x7c: {  	s0 =	rddreg [dreg:$0x0];
	s2 =	stileid.u32  }
0x7d: {  	s1 =	rddreg [dreg:$0x1];
	p0 =	sne.s32 s2, $0x0  }
0x7e: {  	s3 =	rddreg [dreg:$0x2];
	[bflag:$0x3] =	sbarrier.arrive $0xFFFF;
	s2 =	simm.s32 @!p0 $0x1C03  }
0x7f: {  	[timem:s3], [sflag:s2] =	dma.local @!p0 [hbm:s0], s1  }
0x80: {  	s0 =	simm.s32 @!p0 $0x3  }
0x81: {  	_ =	swait.ge @!p0 [sflag:s0], s1  }
0x82: {  	s1 =	ssub.s32 @!p0 $0x0, s1;
	[sflag:s0] =	ssyncset.done @!p0 $0x0  }
0x83: {  	[sflag:s0] =	ssyncadd.s32 @!p0 s1  }
0x84: {  	[bflag:$0x3] =	sbarrier.arrive $0xFFFF  }
0x85: {  	_ =	shalt  }

</sc_bundles>
